<compile_context>
chip_gen: v7x
topology: tpu7x:2x2x1
jax: 0.10.2.dev20260603
libtpu: 0.0.44.dev20260713+nightly
codegen_flags: <defaults>
</compile_context>

<pallas_src>
import functools

import jax
import jax.numpy as jnp
from jax import lax
from jax.experimental import pallas as pl
from jax.experimental.pallas import tpu as pltpu
from jax.experimental.pallas import tpu_sc as plsc

_D = 64
_B = 4096 * 50
_NC = 2
_NS = 16
_NW = _NC * _NS
_BPW = _B // _NW
_CHUNK = 128
_NSTEP = _BPW // _CHUNK
_NBUF = 10
_NGRP = _NSTEP // _NBUF

_mesh = plsc.VectorSubcoreMesh(core_axis_name="c", subcore_axis_name="s")


@functools.partial(
    pl.kernel,
    mesh=_mesh,
    out_type=jax.ShapeDtypeStruct((_B, _D), jnp.float32),
    scratch_types=[
        pltpu.VMEM((_BPW,), jnp.int32),
        pltpu.VMEM((_NBUF, _CHUNK, _D), jnp.float32),
    ]
    + [pltpu.SemaphoreType.DMA] * (2 * _NBUF),
    compiler_params=pltpu.CompilerParams(use_tc_tiling_on_sc=False),
)
def _gather_kernel(table, idx, out, idx_v, rows_v, *sems):
    gsem = sems[:_NBUF]
    osem = sems[_NBUF:]
    wid = lax.axis_index("s") * _NC + lax.axis_index("c")
    base = wid * _BPW
    pltpu.sync_copy(idx.at[pl.ds(base, _BPW)], idx_v)

    def g_copy(s, b):
        return pltpu.make_async_copy(
            table.at[idx_v.at[pl.ds(s * _CHUNK, _CHUNK)]], rows_v.at[b], gsem[b])

    def o_copy(s, b):
        return pltpu.make_async_copy(
            rows_v.at[b], out.at[pl.ds(base + s * _CHUNK, _CHUNK)], osem[b])

    for b in range(_NBUF):
        g_copy(b, b).start()

    def group(g, carry):
        for b in range(_NBUF):
            s = g * _NBUF + b
            g_copy(s, b).wait()
            o_copy(s, b).start()
            b1 = (b - 1) % _NBUF
            s_prev = s - 1
            s_next = s + _NBUF - 1

            @pl.when(jnp.logical_and(s_prev >= 0, s_next < _NSTEP))
            def _():
                o_copy(s_prev, b1).wait()
                g_copy(s_next, b1).start()

        return carry

    lax.fori_loop(0, _NGRP, group, 0)

    for k in range(_NBUF):
        s = _NSTEP - _NBUF + k
        o_copy(s, s % _NBUF).wait()


def kernel(input_ids, embedding):
    idx = input_ids.reshape(-1).astype(jnp.int32)
    out = _gather_kernel(embedding, idx)
    return out.reshape(input_ids.shape + (_D,))

# --- scband reference (transcript-rebuilt; emitter-appended) ---
"""Pipeline reference for scband-word-embedding-51668456571243 (READ-ONLY COPY).

The authoritative reference and input builder live on the scoring server;
editing this copy changes nothing except your own understanding.
"""

import jax, jax.numpy as jnp
import numpy as np

VOCAB = 100000
EMBED_DIM = 64
BATCH = 4096
HIST = 50

def setup_inputs(seed: int = 0) -> dict:
    key = jax.random.key(seed)
    k_tab, k_idx = jax.random.split(key)
    embedding = jax.random.normal(k_tab, (VOCAB, EMBED_DIM), dtype=jnp.float32)
    input_ids = jax.random.randint(k_idx, (BATCH, HIST), 0, VOCAB, dtype=jnp.int64)
    return {"input_ids": input_ids, "embedding": embedding}

def reference(input_ids, embedding):
    # Faithful to nn.Embedding: pure row gather from the table.
    return jnp.take(embedding, input_ids, axis=0)

if __name__ == "__main__":
    import jax
    _d = setup_inputs()
    print(jax.jit(kernel)(*tuple(_d.values())))

</pallas_src>

<mosaic_0001>
#map = affine_map<(d0, d1) -> (0, 0)>
#map1 = affine_map<(d0, d1) -> (0)>
module attributes {stable_mosaic.version = 14 : i64} {
  func.func @_gather_kernel(%arg0: i32, %arg1: i32, %arg2: memref<100000x64xf32, #tpu.memory_space<hbm>>, %arg3: memref<204800xi32, #tpu.memory_space<hbm>>, %arg4: memref<204800x64xf32, #tpu.memory_space<hbm>>, %arg5: memref<6400xi32, #tpu.memory_space<vmem>>, %arg6: memref<10x128x64xf32, #tpu.memory_space<vmem>>, %arg7: memref<!tpu.dma_semaphore, #tpu.memory_space<semaphore_mem>>, %arg8: memref<!tpu.dma_semaphore, #tpu.memory_space<semaphore_mem>>, %arg9: memref<!tpu.dma_semaphore, #tpu.memory_space<semaphore_mem>>, %arg10: memref<!tpu.dma_semaphore, #tpu.memory_space<semaphore_mem>>, %arg11: memref<!tpu.dma_semaphore, #tpu.memory_space<semaphore_mem>>, %arg12: memref<!tpu.dma_semaphore, #tpu.memory_space<semaphore_mem>>, %arg13: memref<!tpu.dma_semaphore, #tpu.memory_space<semaphore_mem>>, %arg14: memref<!tpu.dma_semaphore, #tpu.memory_space<semaphore_mem>>, %arg15: memref<!tpu.dma_semaphore, #tpu.memory_space<semaphore_mem>>, %arg16: memref<!tpu.dma_semaphore, #tpu.memory_space<semaphore_mem>>, %arg17: memref<!tpu.dma_semaphore, #tpu.memory_space<semaphore_mem>>, %arg18: memref<!tpu.dma_semaphore, #tpu.memory_space<semaphore_mem>>, %arg19: memref<!tpu.dma_semaphore, #tpu.memory_space<semaphore_mem>>, %arg20: memref<!tpu.dma_semaphore, #tpu.memory_space<semaphore_mem>>, %arg21: memref<!tpu.dma_semaphore, #tpu.memory_space<semaphore_mem>>, %arg22: memref<!tpu.dma_semaphore, #tpu.memory_space<semaphore_mem>>, %arg23: memref<!tpu.dma_semaphore, #tpu.memory_space<semaphore_mem>>, %arg24: memref<!tpu.dma_semaphore, #tpu.memory_space<semaphore_mem>>, %arg25: memref<!tpu.dma_semaphore, #tpu.memory_space<semaphore_mem>>, %arg26: memref<!tpu.dma_semaphore, #tpu.memory_space<semaphore_mem>>) attributes {dimension_semantics = [#tpu.dimension_semantics<core_parallel>, #tpu.dimension_semantics<subcore_parallel>], iteration_bounds = array<i64: 2, 16>, scalar_prefetch = 0 : i64, scratch_operands = 22 : i64, tpu.core_type = #tpu.core_type<sc_vector_subcore>, window_params = [{transform_indices = #map}, {transform_indices = #map1}, {transform_indices = #map}]} {
    %mul3A = arith.constant 2 : i32
    %mul3A_0 = arith.muli %arg1, %mul3A : i32
    %add3A = arith.addi %mul3A_0, %arg0 : i32
    %mul3A_1 = arith.constant 6400 : i32
    %mul3A_2 = arith.muli %add3A, %mul3A_1 : i32
    "tpu.region"() ({
      %run_scoped3A = tpu.sem_alloc : memref<!tpu.dma_semaphore, #tpu.memory_space<semaphore_mem>>
      %dma_start3A_256 = tpu.memref_slice %arg3[%mul3A_2] : memref<204800xi32, #tpu.memory_space<hbm>> -> memref<6400xi32, #tpu.memory_space<hbm>>
      %dma_start3A_257 = tpu.memref_slice %arg3[%mul3A_2] : memref<204800xi32, #tpu.memory_space<hbm>> -> memref<6400xi32, #tpu.memory_space<hbm>>
      tpu.enqueue_dma source(%dma_start3A_257 : memref<6400xi32, #tpu.memory_space<hbm>>) target(%arg5 : memref<6400xi32, #tpu.memory_space<vmem>>) target_semaphore(%run_scoped3A : memref<!tpu.dma_semaphore, #tpu.memory_space<semaphore_mem>>)
      %dma_wait3A_258 = tpu.memref_slice %arg3[%mul3A_2] : memref<204800xi32, #tpu.memory_space<hbm>> -> memref<6400xi32, #tpu.memory_space<hbm>>
      %dma_wait3A_259 = tpu.memref_slice %arg3[%mul3A_2] : memref<204800xi32, #tpu.memory_space<hbm>> -> memref<6400xi32, #tpu.memory_space<hbm>>
      tpu.wait_dma2 semaphore(%run_scoped3A : memref<!tpu.dma_semaphore, #tpu.memory_space<semaphore_mem>>) src(%dma_wait3A_259 : memref<6400xi32, #tpu.memory_space<hbm>>) dst(%arg5 : memref<6400xi32, #tpu.memory_space<vmem>>)
      tpu.yield
    }) : () -> ()
    %dma_start3A = arith.constant 0 : i32
    %dma_start3A_3 = arith.constant 0 : i32
    %dma_start3A_4 = arith.constant 0 : i32
    %dma_start3A_5 = tpu.memref_slice %arg6[%dma_start3A, %dma_start3A_3, %dma_start3A_4] : memref<10x128x64xf32, #tpu.memory_space<vmem>> -> memref<1x128x64xf32, #tpu.memory_space<vmem>>
    %dma_start3A_6 = tpu.memref_squeeze %dma_start3A_5 : memref<1x128x64xf32, #tpu.memory_space<vmem>> -> memref<128x64xf32, #tpu.memory_space<vmem>>
    %dma_start3A_7 = arith.constant 0 : i32
    %dma_start3A_8 = tpu.memref_slice %arg5[%dma_start3A_7] : memref<6400xi32, #tpu.memory_space<vmem>> -> memref<128xi32, #tpu.memory_space<vmem>>
    %dma_start3A_9 = arith.constant 0 : i32
    %dma_start3A_10 = arith.constant 0 : i32
    %dma_start3A_11 = tpu.memref_slice %arg2[%dma_start3A_9, %dma_start3A_10] : memref<100000x64xf32, #tpu.memory_space<hbm>> -> memref<100000x64xf32, #tpu.memory_space<hbm>>
    tpu.enqueue_indirect_dma source(%dma_start3A_11 : memref<100000x64xf32, #tpu.memory_space<hbm>>) target(%dma_start3A_6 : memref<128x64xf32, #tpu.memory_space<vmem>>) offsets(%dma_start3A_8 : memref<128xi32, #tpu.memory_space<vmem>>) semaphore(%arg7 : memref<!tpu.dma_semaphore, #tpu.memory_space<semaphore_mem>>)
    %dma_start3A_12 = arith.constant 1 : i32
    %dma_start3A_13 = arith.constant 0 : i32
    %dma_start3A_14 = arith.constant 0 : i32
    %dma_start3A_15 = tpu.memref_slice %arg6[%dma_start3A_12, %dma_start3A_13, %dma_start3A_14] : memref<10x128x64xf32, #tpu.memory_space<vmem>> -> memref<1x128x64xf32, #tpu.memory_space<vmem>>
    %dma_start3A_16 = tpu.memref_squeeze %dma_start3A_15 : memref<1x128x64xf32, #tpu.memory_space<vmem>> -> memref<128x64xf32, #tpu.memory_space<vmem>>
    %dma_start3A_17 = arith.constant 128 : i32
    %dma_start3A_18 = tpu.memref_slice %arg5[%dma_start3A_17] : memref<6400xi32, #tpu.memory_space<vmem>> -> memref<128xi32, #tpu.memory_space<vmem>>
    %dma_start3A_19 = arith.constant 0 : i32
    %dma_start3A_20 = arith.constant 0 : i32
    %dma_start3A_21 = tpu.memref_slice %arg2[%dma_start3A_19, %dma_start3A_20] : memref<100000x64xf32, #tpu.memory_space<hbm>> -> memref<100000x64xf32, #tpu.memory_space<hbm>>
    tpu.enqueue_indirect_dma source(%dma_start3A_21 : memref<100000x64xf32, #tpu.memory_space<hbm>>) target(%dma_start3A_16 : memref<128x64xf32, #tpu.memory_space<vmem>>) offsets(%dma_start3A_18 : memref<128xi32, #tpu.memory_space<vmem>>) semaphore(%arg8 : memref<!tpu.dma_semaphore, #tpu.memory_space<semaphore_mem>>)
    %dma_start3A_22 = arith.constant 2 : i32
    %dma_start3A_23 = arith.constant 0 : i32
    %dma_start3A_24 = arith.constant 0 : i32
    %dma_start3A_25 = tpu.memref_slice %arg6[%dma_start3A_22, %dma_start3A_23, %dma_start3A_24] : memref<10x128x64xf32, #tpu.memory_space<vmem>> -> memref<1x128x64xf32, #tpu.memory_space<vmem>>
    %dma_start3A_26 = tpu.memref_squeeze %dma_start3A_25 : memref<1x128x64xf32, #tpu.memory_space<vmem>> -> memref<128x64xf32, #tpu.memory_space<vmem>>
    %dma_start3A_27 = arith.constant 256 : i32
    %dma_start3A_28 = tpu.memref_slice %arg5[%dma_start3A_27] : memref<6400xi32, #tpu.memory_space<vmem>> -> memref<128xi32, #tpu.memory_space<vmem>>
    %dma_start3A_29 = arith.constant 0 : i32
    %dma_start3A_30 = arith.constant 0 : i32
    %dma_start3A_31 = tpu.memref_slice %arg2[%dma_start3A_29, %dma_start3A_30] : memref<100000x64xf32, #tpu.memory_space<hbm>> -> memref<100000x64xf32, #tpu.memory_space<hbm>>
    tpu.enqueue_indirect_dma source(%dma_start3A_31 : memref<100000x64xf32, #tpu.memory_space<hbm>>) target(%dma_start3A_26 : memref<128x64xf32, #tpu.memory_space<vmem>>) offsets(%dma_start3A_28 : memref<128xi32, #tpu.memory_space<vmem>>) semaphore(%arg9 : memref<!tpu.dma_semaphore, #tpu.memory_space<semaphore_mem>>)
    %dma_start3A_32 = arith.constant 3 : i32
    %dma_start3A_33 = arith.constant 0 : i32
    %dma_start3A_34 = arith.constant 0 : i32
    %dma_start3A_35 = tpu.memref_slice %arg6[%dma_start3A_32, %dma_start3A_33, %dma_start3A_34] : memref<10x128x64xf32, #tpu.memory_space<vmem>> -> memref<1x128x64xf32, #tpu.memory_space<vmem>>
    %dma_start3A_36 = tpu.memref_squeeze %dma_start3A_35 : memref<1x128x64xf32, #tpu.memory_space<vmem>> -> memref<128x64xf32, #tpu.memory_space<vmem>>
    %dma_start3A_37 = arith.constant 384 : i32
    %dma_start3A_38 = tpu.memref_slice %arg5[%dma_start3A_37] : memref<6400xi32, #tpu.memory_space<vmem>> -> memref<128xi32, #tpu.memory_space<vmem>>
    %dma_start3A_39 = arith.constant 0 : i32
    %dma_start3A_40 = arith.constant 0 : i32
    %dma_start3A_41 = tpu.memref_slice %arg2[%dma_start3A_39, %dma_start3A_40] : memref<100000x64xf32, #tpu.memory_space<hbm>> -> memref<100000x64xf32, #tpu.memory_space<hbm>>
    tpu.enqueue_indirect_dma source(%dma_start3A_41 : memref<100000x64xf32, #tpu.memory_space<hbm>>) target(%dma_start3A_36 : memref<128x64xf32, #tpu.memory_space<vmem>>) offsets(%dma_start3A_38 : memref<128xi32, #tpu.memory_space<vmem>>) semaphore(%arg10 : memref<!tpu.dma_semaphore, #tpu.memory_space<semaphore_mem>>)
    %dma_start3A_42 = arith.constant 4 : i32
    %dma_start3A_43 = arith.constant 0 : i32
    %dma_start3A_44 = arith.constant 0 : i32
    %dma_start3A_45 = tpu.memref_slice %arg6[%dma_start3A_42, %dma_start3A_43, %dma_start3A_44] : memref<10x128x64xf32, #tpu.memory_space<vmem>> -> memref<1x128x64xf32, #tpu.memory_space<vmem>>
    %dma_start3A_46 = tpu.memref_squeeze %dma_start3A_45 : memref<1x128x64xf32, #tpu.memory_space<vmem>> -> memref<128x64xf32, #tpu.memory_space<vmem>>
    %dma_start3A_47 = arith.constant 512 : i32
    %dma_start3A_48 = tpu.memref_slice %arg5[%dma_start3A_47] : memref<6400xi32, #tpu.memory_space<vmem>> -> memref<128xi32, #tpu.memory_space<vmem>>
    %dma_start3A_49 = arith.constant 0 : i32
    %dma_start3A_50 = arith.constant 0 : i32
    %dma_start3A_51 = tpu.memref_slice %arg2[%dma_start3A_49, %dma_start3A_50] : memref<100000x64xf32, #tpu.memory_space<hbm>> -> memref<100000x64xf32, #tpu.memory_space<hbm>>
    tpu.enqueue_indirect_dma source(%dma_start3A_51 : memref<100000x64xf32, #tpu.memory_space<hbm>>) target(%dma_start3A_46 : memref<128x64xf32, #tpu.memory_space<vmem>>) offsets(%dma_start3A_48 : memref<128xi32, #tpu.memory_space<vmem>>) semaphore(%arg11 : memref<!tpu.dma_semaphore, #tpu.memory_space<semaphore_mem>>)
    %dma_start3A_52 = arith.constant 5 : i32
    %dma_start3A_53 = arith.constant 0 : i32
    %dma_start3A_54 = arith.constant 0 : i32
    %dma_start3A_55 = tpu.memref_slice %arg6[%dma_start3A_52, %dma_start3A_53, %dma_start3A_54] : memref<10x128x64xf32, #tpu.memory_space<vmem>> -> memref<1x128x64xf32, #tpu.memory_space<vmem>>
    %dma_start3A_56 = tpu.memref_squeeze %dma_start3A_55 : memref<1x128x64xf32, #tpu.memory_space<vmem>> -> memref<128x64xf32, #tpu.memory_space<vmem>>
    %dma_start3A_57 = arith.constant 640 : i32
    %dma_start3A_58 = tpu.memref_slice %arg5[%dma_start3A_57] : memref<6400xi32, #tpu.memory_space<vmem>> -> memref<128xi32, #tpu.memory_space<vmem>>
    %dma_start3A_59 = arith.constant 0 : i32
    %dma_start3A_60 = arith.constant 0 : i32
    %dma_start3A_61 = tpu.memref_slice %arg2[%dma_start3A_59, %dma_start3A_60] : memref<100000x64xf32, #tpu.memory_space<hbm>> -> memref<100000x64xf32, #tpu.memory_space<hbm>>
    tpu.enqueue_indirect_dma source(%dma_start3A_61 : memref<100000x64xf32, #tpu.memory_space<hbm>>) target(%dma_start3A_56 : memref<128x64xf32, #tpu.memory_space<vmem>>) offsets(%dma_start3A_58 : memref<128xi32, #tpu.memory_space<vmem>>) semaphore(%arg12 : memref<!tpu.dma_semaphore, #tpu.memory_space<semaphore_mem>>)
    %dma_start3A_62 = arith.constant 6 : i32
    %dma_start3A_63 = arith.constant 0 : i32
    %dma_start3A_64 = arith.constant 0 : i32
    %dma_start3A_65 = tpu.memref_slice %arg6[%dma_start3A_62, %dma_start3A_63, %dma_start3A_64] : memref<10x128x64xf32, #tpu.memory_space<vmem>> -> memref<1x128x64xf32, #tpu.memory_space<vmem>>
    %dma_start3A_66 = tpu.memref_squeeze %dma_start3A_65 : memref<1x128x64xf32, #tpu.memory_space<vmem>> -> memref<128x64xf32, #tpu.memory_space<vmem>>
    %dma_start3A_67 = arith.constant 768 : i32
    %dma_start3A_68 = tpu.memref_slice %arg5[%dma_start3A_67] : memref<6400xi32, #tpu.memory_space<vmem>> -> memref<128xi32, #tpu.memory_space<vmem>>
    %dma_start3A_69 = arith.constant 0 : i32
    %dma_start3A_70 = arith.constant 0 : i32
    %dma_start3A_71 = tpu.memref_slice %arg2[%dma_start3A_69, %dma_start3A_70] : memref<100000x64xf32, #tpu.memory_space<hbm>> -> memref<100000x64xf32, #tpu.memory_space<hbm>>
    tpu.enqueue_indirect_dma source(%dma_start3A_71 : memref<100000x64xf32, #tpu.memory_space<hbm>>) target(%dma_start3A_66 : memref<128x64xf32, #tpu.memory_space<vmem>>) offsets(%dma_start3A_68 : memref<128xi32, #tpu.memory_space<vmem>>) semaphore(%arg13 : memref<!tpu.dma_semaphore, #tpu.memory_space<semaphore_mem>>)
    %dma_start3A_72 = arith.constant 7 : i32
    %dma_start3A_73 = arith.constant 0 : i32
    %dma_start3A_74 = arith.constant 0 : i32
    %dma_start3A_75 = tpu.memref_slice %arg6[%dma_start3A_72, %dma_start3A_73, %dma_start3A_74] : memref<10x128x64xf32, #tpu.memory_space<vmem>> -> memref<1x128x64xf32, #tpu.memory_space<vmem>>
    %dma_start3A_76 = tpu.memref_squeeze %dma_start3A_75 : memref<1x128x64xf32, #tpu.memory_space<vmem>> -> memref<128x64xf32, #tpu.memory_space<vmem>>
    %dma_start3A_77 = arith.constant 896 : i32
    %dma_start3A_78 = tpu.memref_slice %arg5[%dma_start3A_77] : memref<6400xi32, #tpu.memory_space<vmem>> -> memref<128xi32, #tpu.memory_space<vmem>>
    %dma_start3A_79 = arith.constant 0 : i32
    %dma_start3A_80 = arith.constant 0 : i32
    %dma_start3A_81 = tpu.memref_slice %arg2[%dma_start3A_79, %dma_start3A_80] : memref<100000x64xf32, #tpu.memory_space<hbm>> -> memref<100000x64xf32, #tpu.memory_space<hbm>>
    tpu.enqueue_indirect_dma source(%dma_start3A_81 : memref<100000x64xf32, #tpu.memory_space<hbm>>) target(%dma_start3A_76 : memref<128x64xf32, #tpu.memory_space<vmem>>) offsets(%dma_start3A_78 : memref<128xi32, #tpu.memory_space<vmem>>) semaphore(%arg14 : memref<!tpu.dma_semaphore, #tpu.memory_space<semaphore_mem>>)
    %dma_start3A_82 = arith.constant 8 : i32
    %dma_start3A_83 = arith.constant 0 : i32
    %dma_start3A_84 = arith.constant 0 : i32
    %dma_start3A_85 = tpu.memref_slice %arg6[%dma_start3A_82, %dma_start3A_83, %dma_start3A_84] : memref<10x128x64xf32, #tpu.memory_space<vmem>> -> memref<1x128x64xf32, #tpu.memory_space<vmem>>
    %dma_start3A_86 = tpu.memref_squeeze %dma_start3A_85 : memref<1x128x64xf32, #tpu.memory_space<vmem>> -> memref<128x64xf32, #tpu.memory_space<vmem>>
    %dma_start3A_87 = arith.constant 1024 : i32
    %dma_start3A_88 = tpu.memref_slice %arg5[%dma_start3A_87] : memref<6400xi32, #tpu.memory_space<vmem>> -> memref<128xi32, #tpu.memory_space<vmem>>
    %dma_start3A_89 = arith.constant 0 : i32
    %dma_start3A_90 = arith.constant 0 : i32
    %dma_start3A_91 = tpu.memref_slice %arg2[%dma_start3A_89, %dma_start3A_90] : memref<100000x64xf32, #tpu.memory_space<hbm>> -> memref<100000x64xf32, #tpu.memory_space<hbm>>
    tpu.enqueue_indirect_dma source(%dma_start3A_91 : memref<100000x64xf32, #tpu.memory_space<hbm>>) target(%dma_start3A_86 : memref<128x64xf32, #tpu.memory_space<vmem>>) offsets(%dma_start3A_88 : memref<128xi32, #tpu.memory_space<vmem>>) semaphore(%arg15 : memref<!tpu.dma_semaphore, #tpu.memory_space<semaphore_mem>>)
    %dma_start3A_92 = arith.constant 9 : i32
    %dma_start3A_93 = arith.constant 0 : i32
    %dma_start3A_94 = arith.constant 0 : i32
    %dma_start3A_95 = tpu.memref_slice %arg6[%dma_start3A_92, %dma_start3A_93, %dma_start3A_94] : memref<10x128x64xf32, #tpu.memory_space<vmem>> -> memref<1x128x64xf32, #tpu.memory_space<vmem>>
    %dma_start3A_96 = tpu.memref_squeeze %dma_start3A_95 : memref<1x128x64xf32, #tpu.memory_space<vmem>> -> memref<128x64xf32, #tpu.memory_space<vmem>>
    %dma_start3A_97 = arith.constant 1152 : i32
    %dma_start3A_98 = tpu.memref_slice %arg5[%dma_start3A_97] : memref<6400xi32, #tpu.memory_space<vmem>> -> memref<128xi32, #tpu.memory_space<vmem>>
    %dma_start3A_99 = arith.constant 0 : i32
    %dma_start3A_100 = arith.constant 0 : i32
    %dma_start3A_101 = tpu.memref_slice %arg2[%dma_start3A_99, %dma_start3A_100] : memref<100000x64xf32, #tpu.memory_space<hbm>> -> memref<100000x64xf32, #tpu.memory_space<hbm>>
    tpu.enqueue_indirect_dma source(%dma_start3A_101 : memref<100000x64xf32, #tpu.memory_space<hbm>>) target(%dma_start3A_96 : memref<128x64xf32, #tpu.memory_space<vmem>>) offsets(%dma_start3A_98 : memref<128xi32, #tpu.memory_space<vmem>>) semaphore(%arg16 : memref<!tpu.dma_semaphore, #tpu.memory_space<semaphore_mem>>)
    %scan3A = arith.constant 0 : i32
    %scan3A_102 = arith.constant 0 : i32
    %scan3A_103 = arith.constant 5 : i32
    %scan3A_104 = arith.addi %scan3A_102, %scan3A_103 : i32
    %scan3A_105 = arith.constant 1 : i32
    scf.for %scan3A_256 = %scan3A_102 to %scan3A_104 step %scan3A_105  : i32 {
      %mul3A_257 = arith.constant 10 : i32
      %mul3A_258 = arith.muli %scan3A_256, %mul3A_257 : i32
      %add3A_259 = arith.constant 0 : i32
      %add3A_260 = arith.addi %mul3A_258, %add3A_259 : i32
      %mul3A_261 = arith.constant 128 : i32
      %mul3A_262 = arith.muli %add3A_260, %mul3A_261 : i32
      %dma_wait3A_263 = arith.constant 0 : i32
      %dma_wait3A_264 = arith.constant 0 : i32
      %dma_wait3A_265 = arith.constant 0 : i32
      %dma_wait3A_266 = tpu.memref_slice %arg6[%dma_wait3A_263, %dma_wait3A_264, %dma_wait3A_265] : memref<10x128x64xf32, #tpu.memory_space<vmem>> -> memref<1x128x64xf32, #tpu.memory_space<vmem>>
      %dma_wait3A_267 = tpu.memref_squeeze %dma_wait3A_266 : memref<1x128x64xf32, #tpu.memory_space<vmem>> -> memref<128x64xf32, #tpu.memory_space<vmem>>
      %dma_wait3A_268 = tpu.memref_slice %arg5[%mul3A_262] : memref<6400xi32, #tpu.memory_space<vmem>> -> memref<128xi32, #tpu.memory_space<vmem>>
      %dma_wait3A_269 = arith.constant 0 : i32
      %dma_wait3A_270 = arith.constant 0 : i32
      %dma_wait3A_271 = tpu.memref_slice %arg2[%dma_wait3A_269, %dma_wait3A_270] : memref<100000x64xf32, #tpu.memory_space<hbm>> -> memref<100000x64xf32, #tpu.memory_space<hbm>>
      tpu.wait_indirect_dma semaphore(%arg7 : memref<!tpu.dma_semaphore, #tpu.memory_space<semaphore_mem>>) src(%dma_wait3A_271 : memref<100000x64xf32, #tpu.memory_space<hbm>>) dst(%dma_wait3A_267 : memref<128x64xf32, #tpu.memory_space<vmem>>)
      %mul3A_272 = arith.constant 128 : i32
      %mul3A_273 = arith.muli %add3A_260, %mul3A_272 : i32
      %add3A_274 = arith.addi %mul3A_2, %mul3A_273 : i32
      %dma_start3A_275 = arith.constant 0 : i32
      %dma_start3A_276 = arith.constant 0 : i32
      %dma_start3A_277 = arith.constant 0 : i32
      %dma_start3A_278 = tpu.memref_slice %arg6[%dma_start3A_275, %dma_start3A_276, %dma_start3A_277] : memref<10x128x64xf32, #tpu.memory_space<vmem>> -> memref<1x128x64xf32, #tpu.memory_space<vmem>>
      %dma_start3A_279 = tpu.memref_squeeze %dma_start3A_278 : memref<1x128x64xf32, #tpu.memory_space<vmem>> -> memref<128x64xf32, #tpu.memory_space<vmem>>
      %dma_start3A_280 = arith.constant 0 : i32
      %dma_start3A_281 = tpu.memref_slice %arg4[%add3A_274, %dma_start3A_280] : memref<204800x64xf32, #tpu.memory_space<hbm>> -> memref<128x64xf32, #tpu.memory_space<hbm>>
      %dma_start3A_282 = arith.constant 0 : i32
      %dma_start3A_283 = tpu.memref_slice %arg4[%add3A_274, %dma_start3A_282] : memref<204800x64xf32, #tpu.memory_space<hbm>> -> memref<128x64xf32, #tpu.memory_space<hbm>>
      %dma_start3A_284 = arith.constant 0 : i32
      %dma_start3A_285 = arith.constant 0 : i32
      %dma_start3A_286 = tpu.memref_slice %arg6[%dma_start3A_275, %dma_start3A_284, %dma_start3A_285] : memref<10x128x64xf32, #tpu.memory_space<vmem>> -> memref<1x128x64xf32, #tpu.memory_space<vmem>>
      %dma_start3A_287 = tpu.memref_squeeze %dma_start3A_286 : memref<1x128x64xf32, #tpu.memory_space<vmem>> -> memref<128x64xf32, #tpu.memory_space<vmem>>
      tpu.enqueue_dma source(%dma_start3A_287 : memref<128x64xf32, #tpu.memory_space<vmem>>) target(%dma_start3A_283 : memref<128x64xf32, #tpu.memory_space<hbm>>) target_semaphore(%arg17 : memref<!tpu.dma_semaphore, #tpu.memory_space<semaphore_mem>>)
      %sub3A = arith.constant 1 : i32
      %sub3A_288 = arith.subi %add3A_260, %sub3A : i32
      %add3A_289 = arith.constant 10 : i32
      %add3A_290 = arith.addi %add3A_260, %add3A_289 : i32
      %sub3A_291 = arith.constant 1 : i32
      %sub3A_292 = arith.subi %add3A_290, %sub3A_291 : i32
      %ge3A = arith.constant 0 : i32
      %ge3A_293 = arith.cmpi sge, %sub3A_288, %ge3A : i32
      %lt3A = arith.constant 50 : i32
      %lt3A_294 = arith.cmpi slt, %sub3A_292, %lt3A : i32
      %and3A = arith.andi %ge3A_293, %lt3A_294 : i1
      %convert_element_type3A = arith.extui %and3A : i1 to i32
      %cond3A = arith.constant 0 : i32
      %cond3A_295 = arith.cmpi ne, %convert_element_type3A, %cond3A : i32
      scf.if %cond3A_295 {
        %mul3A_701 = arith.constant 128 : i32
        %mul3A_702 = arith.muli %sub3A_288, %mul3A_701 : i32
        %add3A_703 = arith.addi %mul3A_2, %mul3A_702 : i32
        %dma_wait3A_704 = arith.constant 9 : i32
        %dma_wait3A_705 = arith.constant 0 : i32
        %dma_wait3A_706 = arith.constant 0 : i32
        %dma_wait3A_707 = tpu.memref_slice %arg6[%dma_wait3A_704, %dma_wait3A_705, %dma_wait3A_706] : memref<10x128x64xf32, #tpu.memory_space<vmem>> -> memref<1x128x64xf32, #tpu.memory_space<vmem>>
        %dma_wait3A_708 = tpu.memref_squeeze %dma_wait3A_707 : memref<1x128x64xf32, #tpu.memory_space<vmem>> -> memref<128x64xf32, #tpu.memory_space<vmem>>
        %dma_wait3A_709 = arith.constant 0 : i32
        %dma_wait3A_710 = tpu.memref_slice %arg4[%add3A_703, %dma_wait3A_709] : memref<204800x64xf32, #tpu.memory_space<hbm>> -> memref<128x64xf32, #tpu.memory_space<hbm>>
        %dma_wait3A_711 = arith.constant 0 : i32
        %dma_wait3A_712 = tpu.memref_slice %arg4[%add3A_703, %dma_wait3A_711] : memref<204800x64xf32, #tpu.memory_space<hbm>> -> memref<128x64xf32, #tpu.memory_space<hbm>>
        %dma_wait3A_713 = arith.constant 0 : i32
        %dma_wait3A_714 = arith.constant 0 : i32
        %dma_wait3A_715 = tpu.memref_slice %arg6[%dma_wait3A_704, %dma_wait3A_713, %dma_wait3A_714] : memref<10x128x64xf32, #tpu.memory_space<vmem>> -> memref<1x128x64xf32, #tpu.memory_space<vmem>>
        %dma_wait3A_716 = tpu.memref_squeeze %dma_wait3A_715 : memref<1x128x64xf32, #tpu.memory_space<vmem>> -> memref<128x64xf32, #tpu.memory_space<vmem>>
        tpu.wait_dma2 semaphore(%arg26 : memref<!tpu.dma_semaphore, #tpu.memory_space<semaphore_mem>>) src(%dma_wait3A_716 : memref<128x64xf32, #tpu.memory_space<vmem>>) dst(%dma_wait3A_712 : memref<128x64xf32, #tpu.memory_space<hbm>>)
        %mul3A_717 = arith.constant 128 : i32
        %mul3A_718 = arith.muli %sub3A_292, %mul3A_717 : i32
        %dma_start3A_719 = arith.constant 9 : i32
        %dma_start3A_720 = arith.constant 0 : i32
        %dma_start3A_721 = arith.constant 0 : i32
        %dma_start3A_722 = tpu.memref_slice %arg6[%dma_start3A_719, %dma_start3A_720, %dma_start3A_721] : memref<10x128x64xf32, #tpu.memory_space<vmem>> -> memref<1x128x64xf32, #tpu.memory_space<vmem>>
        %dma_start3A_723 = tpu.memref_squeeze %dma_start3A_722 : memref<1x128x64xf32, #tpu.memory_space<vmem>> -> memref<128x64xf32, #tpu.memory_space<vmem>>
        %dma_start3A_724 = tpu.memref_slice %arg5[%mul3A_718] : memref<6400xi32, #tpu.memory_space<vmem>> -> memref<128xi32, #tpu.memory_space<vmem>>
        %dma_start3A_725 = arith.constant 0 : i32
        %dma_start3A_726 = arith.constant 0 : i32
        %dma_start3A_727 = tpu.memref_slice %arg2[%dma_start3A_725, %dma_start3A_726] : memref<100000x64xf32, #tpu.memory_space<hbm>> -> memref<100000x64xf32, #tpu.memory_space<hbm>>
        tpu.enqueue_indirect_dma source(%dma_start3A_727 : memref<100000x64xf32, #tpu.memory_space<hbm>>) target(%dma_start3A_723 : memref<128x64xf32, #tpu.memory_space<vmem>>) offsets(%dma_start3A_724 : memref<128xi32, #tpu.memory_space<vmem>>) semaphore(%arg16 : memref<!tpu.dma_semaphore, #tpu.memory_space<semaphore_mem>>)
      } else {
      }
      %mul3A_296 = arith.constant 10 : i32
      %mul3A_297 = arith.muli %scan3A_256, %mul3A_296 : i32
      %add3A_298 = arith.constant 1 : i32
      %add3A_299 = arith.addi %mul3A_297, %add3A_298 : i32
      %mul3A_300 = arith.constant 128 : i32
      %mul3A_301 = arith.muli %add3A_299, %mul3A_300 : i32
      %dma_wait3A_302 = arith.constant 1 : i32
      %dma_wait3A_303 = arith.constant 0 : i32
      %dma_wait3A_304 = arith.constant 0 : i32
      %dma_wait3A_305 = tpu.memref_slice %arg6[%dma_wait3A_302, %dma_wait3A_303, %dma_wait3A_304] : memref<10x128x64xf32, #tpu.memory_space<vmem>> -> memref<1x128x64xf32, #tpu.memory_space<vmem>>
      %dma_wait3A_306 = tpu.memref_squeeze %dma_wait3A_305 : memref<1x128x64xf32, #tpu.memory_space<vmem>> -> memref<128x64xf32, #tpu.memory_space<vmem>>
      %dma_wait3A_307 = tpu.memref_slice %arg5[%mul3A_301] : memref<6400xi32, #tpu.memory_space<vmem>> -> memref<128xi32, #tpu.memory_space<vmem>>
      %dma_wait3A_308 = arith.constant 0 : i32
      %dma_wait3A_309 = arith.constant 0 : i32
      %dma_wait3A_310 = tpu.memref_slice %arg2[%dma_wait3A_308, %dma_wait3A_309] : memref<100000x64xf32, #tpu.memory_space<hbm>> -> memref<100000x64xf32, #tpu.memory_space<hbm>>
      tpu.wait_indirect_dma semaphore(%arg8 : memref<!tpu.dma_semaphore, #tpu.memory_space<semaphore_mem>>) src(%dma_wait3A_310 : memref<100000x64xf32, #tpu.memory_space<hbm>>) dst(%dma_wait3A_306 : memref<128x64xf32, #tpu.memory_space<vmem>>)
      %mul3A_311 = arith.constant 128 : i32
      %mul3A_312 = arith.muli %add3A_299, %mul3A_311 : i32
      %add3A_313 = arith.addi %mul3A_2, %mul3A_312 : i32
      %dma_start3A_314 = arith.constant 1 : i32
      %dma_start3A_315 = arith.constant 0 : i32
      %dma_start3A_316 = arith.constant 0 : i32
      %dma_start3A_317 = tpu.memref_slice %arg6[%dma_start3A_314, %dma_start3A_315, %dma_start3A_316] : memref<10x128x64xf32, #tpu.memory_space<vmem>> -> memref<1x128x64xf32, #tpu.memory_space<vmem>>
      %dma_start3A_318 = tpu.memref_squeeze %dma_start3A_317 : memref<1x128x64xf32, #tpu.memory_space<vmem>> -> memref<128x64xf32, #tpu.memory_space<vmem>>
      %dma_start3A_319 = arith.constant 0 : i32
      %dma_start3A_320 = tpu.memref_slice %arg4[%add3A_313, %dma_start3A_319] : memref<204800x64xf32, #tpu.memory_space<hbm>> -> memref<128x64xf32, #tpu.memory_space<hbm>>
      %dma_start3A_321 = arith.constant 0 : i32
      %dma_start3A_322 = tpu.memref_slice %arg4[%add3A_313, %dma_start3A_321] : memref<204800x64xf32, #tpu.memory_space<hbm>> -> memref<128x64xf32, #tpu.memory_space<hbm>>
      %dma_start3A_323 = arith.constant 0 : i32
      %dma_start3A_324 = arith.constant 0 : i32
      %dma_start3A_325 = tpu.memref_slice %arg6[%dma_start3A_314, %dma_start3A_323, %dma_start3A_324] : memref<10x128x64xf32, #tpu.memory_space<vmem>> -> memref<1x128x64xf32, #tpu.memory_space<vmem>>
      %dma_start3A_326 = tpu.memref_squeeze %dma_start3A_325 : memref<1x128x64xf32, #tpu.memory_space<vmem>> -> memref<128x64xf32, #tpu.memory_space<vmem>>
      tpu.enqueue_dma source(%dma_start3A_326 : memref<128x64xf32, #tpu.memory_space<vmem>>) target(%dma_start3A_322 : memref<128x64xf32, #tpu.memory_space<hbm>>) target_semaphore(%arg18 : memref<!tpu.dma_semaphore, #tpu.memory_space<semaphore_mem>>)
      %sub3A_327 = arith.constant 1 : i32
      %sub3A_328 = arith.subi %add3A_299, %sub3A_327 : i32
      %add3A_329 = arith.constant 10 : i32
      %add3A_330 = arith.addi %add3A_299, %add3A_329 : i32
      %sub3A_331 = arith.constant 1 : i32
      %sub3A_332 = arith.subi %add3A_330, %sub3A_331 : i32
      %ge3A_333 = arith.constant 0 : i32
      %ge3A_334 = arith.cmpi sge, %sub3A_328, %ge3A_333 : i32
      %lt3A_335 = arith.constant 50 : i32
      %lt3A_336 = arith.cmpi slt, %sub3A_332, %lt3A_335 : i32
      %and3A_337 = arith.andi %ge3A_334, %lt3A_336 : i1
      %convert_element_type3A_338 = arith.extui %and3A_337 : i1 to i32
      %cond3A_339 = arith.constant 0 : i32
      %cond3A_340 = arith.cmpi ne, %convert_element_type3A_338, %cond3A_339 : i32
      scf.if %cond3A_340 {
        %mul3A_701 = arith.constant 128 : i32
        %mul3A_702 = arith.muli %sub3A_328, %mul3A_701 : i32
        %add3A_703 = arith.addi %mul3A_2, %mul3A_702 : i32
        %dma_wait3A_704 = arith.constant 0 : i32
        %dma_wait3A_705 = arith.constant 0 : i32
        %dma_wait3A_706 = arith.constant 0 : i32
        %dma_wait3A_707 = tpu.memref_slice %arg6[%dma_wait3A_704, %dma_wait3A_705, %dma_wait3A_706] : memref<10x128x64xf32, #tpu.memory_space<vmem>> -> memref<1x128x64xf32, #tpu.memory_space<vmem>>
        %dma_wait3A_708 = tpu.memref_squeeze %dma_wait3A_707 : memref<1x128x64xf32, #tpu.memory_space<vmem>> -> memref<128x64xf32, #tpu.memory_space<vmem>>
        %dma_wait3A_709 = arith.constant 0 : i32
        %dma_wait3A_710 = tpu.memref_slice %arg4[%add3A_703, %dma_wait3A_709] : memref<204800x64xf32, #tpu.memory_space<hbm>> -> memref<128x64xf32, #tpu.memory_space<hbm>>
        %dma_wait3A_711 = arith.constant 0 : i32
        %dma_wait3A_712 = tpu.memref_slice %arg4[%add3A_703, %dma_wait3A_711] : memref<204800x64xf32, #tpu.memory_space<hbm>> -> memref<128x64xf32, #tpu.memory_space<hbm>>
        %dma_wait3A_713 = arith.constant 0 : i32
        %dma_wait3A_714 = arith.constant 0 : i32
        %dma_wait3A_715 = tpu.memref_slice %arg6[%dma_wait3A_704, %dma_wait3A_713, %dma_wait3A_714] : memref<10x128x64xf32, #tpu.memory_space<vmem>> -> memref<1x128x64xf32, #tpu.memory_space<vmem>>
        %dma_wait3A_716 = tpu.memref_squeeze %dma_wait3A_715 : memref<1x128x64xf32, #tpu.memory_space<vmem>> -> memref<128x64xf32, #tpu.memory_space<vmem>>
        tpu.wait_dma2 semaphore(%arg17 : memref<!tpu.dma_semaphore, #tpu.memory_space<semaphore_mem>>) src(%dma_wait3A_716 : memref<128x64xf32, #tpu.memory_space<vmem>>) dst(%dma_wait3A_712 : memref<128x64xf32, #tpu.memory_space<hbm>>)
        %mul3A_717 = arith.constant 128 : i32
        %mul3A_718 = arith.muli %sub3A_332, %mul3A_717 : i32
        %dma_start3A_719 = arith.constant 0 : i32
        %dma_start3A_720 = arith.constant 0 : i32
        %dma_start3A_721 = arith.constant 0 : i32
        %dma_start3A_722 = tpu.memref_slice %arg6[%dma_start3A_719, %dma_start3A_720, %dma_start3A_721] : memref<10x128x64xf32, #tpu.memory_space<vmem>> -> memref<1x128x64xf32, #tpu.memory_space<vmem>>
        %dma_start3A_723 = tpu.memref_squeeze %dma_start3A_722 : memref<1x128x64xf32, #tpu.memory_space<vmem>> -> memref<128x64xf32, #tpu.memory_space<vmem>>
        %dma_start3A_724 = tpu.memref_slice %arg5[%mul3A_718] : memref<6400xi32, #tpu.memory_space<vmem>> -> memref<128xi32, #tpu.memory_space<vmem>>
        %dma_start3A_725 = arith.constant 0 : i32
        %dma_start3A_726 = arith.constant 0 : i32
        %dma_start3A_727 = tpu.memref_slice %arg2[%dma_start3A_725, %dma_start3A_726] : memref<100000x64xf32, #tpu.memory_space<hbm>> -> memref<100000x64xf32, #tpu.memory_space<hbm>>
        tpu.enqueue_indirect_dma source(%dma_start3A_727 : memref<100000x64xf32, #tpu.memory_space<hbm>>) target(%dma_start3A_723 : memref<128x64xf32, #tpu.memory_space<vmem>>) offsets(%dma_start3A_724 : memref<128xi32, #tpu.memory_space<vmem>>) semaphore(%arg7 : memref<!tpu.dma_semaphore, #tpu.memory_space<semaphore_mem>>)
      } else {
      }
      %mul3A_341 = arith.constant 10 : i32
      %mul3A_342 = arith.muli %scan3A_256, %mul3A_341 : i32
      %add3A_343 = arith.constant 2 : i32
      %add3A_344 = arith.addi %mul3A_342, %add3A_343 : i32
      %mul3A_345 = arith.constant 128 : i32
      %mul3A_346 = arith.muli %add3A_344, %mul3A_345 : i32
      %dma_wait3A_347 = arith.constant 2 : i32
      %dma_wait3A_348 = arith.constant 0 : i32
      %dma_wait3A_349 = arith.constant 0 : i32
      %dma_wait3A_350 = tpu.memref_slice %arg6[%dma_wait3A_347, %dma_wait3A_348, %dma_wait3A_349] : memref<10x128x64xf32, #tpu.memory_space<vmem>> -> memref<1x128x64xf32, #tpu.memory_space<vmem>>
      %dma_wait3A_351 = tpu.memref_squeeze %dma_wait3A_350 : memref<1x128x64xf32, #tpu.memory_space<vmem>> -> memref<128x64xf32, #tpu.memory_space<vmem>>
      %dma_wait3A_352 = tpu.memref_slice %arg5[%mul3A_346] : memref<6400xi32, #tpu.memory_space<vmem>> -> memref<128xi32, #tpu.memory_space<vmem>>
      %dma_wait3A_353 = arith.constant 0 : i32
      %dma_wait3A_354 = arith.constant 0 : i32
      %dma_wait3A_355 = tpu.memref_slice %arg2[%dma_wait3A_353, %dma_wait3A_354] : memref<100000x64xf32, #tpu.memory_space<hbm>> -> memref<100000x64xf32, #tpu.memory_space<hbm>>
      tpu.wait_indirect_dma semaphore(%arg9 : memref<!tpu.dma_semaphore, #tpu.memory_space<semaphore_mem>>) src(%dma_wait3A_355 : memref<100000x64xf32, #tpu.memory_space<hbm>>) dst(%dma_wait3A_351 : memref<128x64xf32, #tpu.memory_space<vmem>>)
      %mul3A_356 = arith.constant 128 : i32
      %mul3A_357 = arith.muli %add3A_344, %mul3A_356 : i32
      %add3A_358 = arith.addi %mul3A_2, %mul3A_357 : i32
      %dma_start3A_359 = arith.constant 2 : i32
      %dma_start3A_360 = arith.constant 0 : i32
      %dma_start3A_361 = arith.constant 0 : i32
      %dma_start3A_362 = tpu.memref_slice %arg6[%dma_start3A_359, %dma_start3A_360, %dma_start3A_361] : memref<10x128x64xf32, #tpu.memory_space<vmem>> -> memref<1x128x64xf32, #tpu.memory_space<vmem>>
      %dma_start3A_363 = tpu.memref_squeeze %dma_start3A_362 : memref<1x128x64xf32, #tpu.memory_space<vmem>> -> memref<128x64xf32, #tpu.memory_space<vmem>>
      %dma_start3A_364 = arith.constant 0 : i32
      %dma_start3A_365 = tpu.memref_slice %arg4[%add3A_358, %dma_start3A_364] : memref<204800x64xf32, #tpu.memory_space<hbm>> -> memref<128x64xf32, #tpu.memory_space<hbm>>
      %dma_start3A_366 = arith.constant 0 : i32
      %dma_start3A_367 = tpu.memref_slice %arg4[%add3A_358, %dma_start3A_366] : memref<204800x64xf32, #tpu.memory_space<hbm>> -> memref<128x64xf32, #tpu.memory_space<hbm>>
      %dma_start3A_368 = arith.constant 0 : i32
      %dma_start3A_369 = arith.constant 0 : i32
      %dma_start3A_370 = tpu.memref_slice %arg6[%dma_start3A_359, %dma_start3A_368, %dma_start3A_369] : memref<10x128x64xf32, #tpu.memory_space<vmem>> -> memref<1x128x64xf32, #tpu.memory_space<vmem>>
      %dma_start3A_371 = tpu.memref_squeeze %dma_start3A_370 : memref<1x128x64xf32, #tpu.memory_space<vmem>> -> memref<128x64xf32, #tpu.memory_space<vmem>>
      tpu.enqueue_dma source(%dma_start3A_371 : memref<128x64xf32, #tpu.memory_space<vmem>>) target(%dma_start3A_367 : memref<128x64xf32, #tpu.memory_space<hbm>>) target_semaphore(%arg19 : memref<!tpu.dma_semaphore, #tpu.memory_space<semaphore_mem>>)
      %sub3A_372 = arith.constant 1 : i32
      %sub3A_373 = arith.subi %add3A_344, %sub3A_372 : i32
      %add3A_374 = arith.constant 10 : i32
      %add3A_375 = arith.addi %add3A_344, %add3A_374 : i32
      %sub3A_376 = arith.constant 1 : i32
      %sub3A_377 = arith.subi %add3A_375, %sub3A_376 : i32
      %ge3A_378 = arith.constant 0 : i32
      %ge3A_379 = arith.cmpi sge, %sub3A_373, %ge3A_378 : i32
      %lt3A_380 = arith.constant 50 : i32
      %lt3A_381 = arith.cmpi slt, %sub3A_377, %lt3A_380 : i32
      %and3A_382 = arith.andi %ge3A_379, %lt3A_381 : i1
      %convert_element_type3A_383 = arith.extui %and3A_382 : i1 to i32
      %cond3A_384 = arith.constant 0 : i32
      %cond3A_385 = arith.cmpi ne, %convert_element_type3A_383, %cond3A_384 : i32
      scf.if %cond3A_385 {
        %mul3A_701 = arith.constant 128 : i32
        %mul3A_702 = arith.muli %sub3A_373, %mul3A_701 : i32
        %add3A_703 = arith.addi %mul3A_2, %mul3A_702 : i32
        %dma_wait3A_704 = arith.constant 1 : i32
        %dma_wait3A_705 = arith.constant 0 : i32
        %dma_wait3A_706 = arith.constant 0 : i32
        %dma_wait3A_707 = tpu.memref_slice %arg6[%dma_wait3A_704, %dma_wait3A_705, %dma_wait3A_706] : memref<10x128x64xf32, #tpu.memory_space<vmem>> -> memref<1x128x64xf32, #tpu.memory_space<vmem>>
        %dma_wait3A_708 = tpu.memref_squeeze %dma_wait3A_707 : memref<1x128x64xf32, #tpu.memory_space<vmem>> -> memref<128x64xf32, #tpu.memory_space<vmem>>
        %dma_wait3A_709 = arith.constant 0 : i32
        %dma_wait3A_710 = tpu.memref_slice %arg4[%add3A_703, %dma_wait3A_709] : memref<204800x64xf32, #tpu.memory_space<hbm>> -> memref<128x64xf32, #tpu.memory_space<hbm>>
        %dma_wait3A_711 = arith.constant 0 : i32
        %dma_wait3A_712 = tpu.memref_slice %arg4[%add3A_703, %dma_wait3A_711] : memref<204800x64xf32, #tpu.memory_space<hbm>> -> memref<128x64xf32, #tpu.memory_space<hbm>>
        %dma_wait3A_713 = arith.constant 0 : i32
        %dma_wait3A_714 = arith.constant 0 : i32
        %dma_wait3A_715 = tpu.memref_slice %arg6[%dma_wait3A_704, %dma_wait3A_713, %dma_wait3A_714] : memref<10x128x64xf32, #tpu.memory_space<vmem>> -> memref<1x128x64xf32, #tpu.memory_space<vmem>>
        %dma_wait3A_716 = tpu.memref_squeeze %dma_wait3A_715 : memref<1x128x64xf32, #tpu.memory_space<vmem>> -> memref<128x64xf32, #tpu.memory_space<vmem>>
        tpu.wait_dma2 semaphore(%arg18 : memref<!tpu.dma_semaphore, #tpu.memory_space<semaphore_mem>>) src(%dma_wait3A_716 : memref<128x64xf32, #tpu.memory_space<vmem>>) dst(%dma_wait3A_712 : memref<128x64xf32, #tpu.memory_space<hbm>>)
        %mul3A_717 = arith.constant 128 : i32
        %mul3A_718 = arith.muli %sub3A_377, %mul3A_717 : i32
        %dma_start3A_719 = arith.constant 1 : i32
        %dma_start3A_720 = arith.constant 0 : i32
        %dma_start3A_721 = arith.constant 0 : i32
        %dma_start3A_722 = tpu.memref_slice %arg6[%dma_start3A_719, %dma_start3A_720, %dma_start3A_721] : memref<10x128x64xf32, #tpu.memory_space<vmem>> -> memref<1x128x64xf32, #tpu.memory_space<vmem>>
        %dma_start3A_723 = tpu.memref_squeeze %dma_start3A_722 : memref<1x128x64xf32, #tpu.memory_space<vmem>> -> memref<128x64xf32, #tpu.memory_space<vmem>>
        %dma_start3A_724 = tpu.memref_slice %arg5[%mul3A_718] : memref<6400xi32, #tpu.memory_space<vmem>> -> memref<128xi32, #tpu.memory_space<vmem>>
        %dma_start3A_725 = arith.constant 0 : i32
        %dma_start3A_726 = arith.constant 0 : i32
        %dma_start3A_727 = tpu.memref_slice %arg2[%dma_start3A_725, %dma_start3A_726] : memref<100000x64xf32, #tpu.memory_space<hbm>> -> memref<100000x64xf32, #tpu.memory_space<hbm>>
        tpu.enqueue_indirect_dma source(%dma_start3A_727 : memref<100000x64xf32, #tpu.memory_space<hbm>>) target(%dma_start3A_723 : memref<128x64xf32, #tpu.memory_space<vmem>>) offsets(%dma_start3A_724 : memref<128xi32, #tpu.memory_space<vmem>>) semaphore(%arg8 : memref<!tpu.dma_semaphore, #tpu.memory_space<semaphore_mem>>)
      } else {
      }
      %mul3A_386 = arith.constant 10 : i32
      %mul3A_387 = arith.muli %scan3A_256, %mul3A_386 : i32
      %add3A_388 = arith.constant 3 : i32
      %add3A_389 = arith.addi %mul3A_387, %add3A_388 : i32
      %mul3A_390 = arith.constant 128 : i32
      %mul3A_391 = arith.muli %add3A_389, %mul3A_390 : i32
      %dma_wait3A_392 = arith.constant 3 : i32
      %dma_wait3A_393 = arith.constant 0 : i32
      %dma_wait3A_394 = arith.constant 0 : i32
      %dma_wait3A_395 = tpu.memref_slice %arg6[%dma_wait3A_392, %dma_wait3A_393, %dma_wait3A_394] : memref<10x128x64xf32, #tpu.memory_space<vmem>> -> memref<1x128x64xf32, #tpu.memory_space<vmem>>
      %dma_wait3A_396 = tpu.memref_squeeze %dma_wait3A_395 : memref<1x128x64xf32, #tpu.memory_space<vmem>> -> memref<128x64xf32, #tpu.memory_space<vmem>>
      %dma_wait3A_397 = tpu.memref_slice %arg5[%mul3A_391] : memref<6400xi32, #tpu.memory_space<vmem>> -> memref<128xi32, #tpu.memory_space<vmem>>
      %dma_wait3A_398 = arith.constant 0 : i32
      %dma_wait3A_399 = arith.constant 0 : i32
      %dma_wait3A_400 = tpu.memref_slice %arg2[%dma_wait3A_398, %dma_wait3A_399] : memref<100000x64xf32, #tpu.memory_space<hbm>> -> memref<100000x64xf32, #tpu.memory_space<hbm>>
      tpu.wait_indirect_dma semaphore(%arg10 : memref<!tpu.dma_semaphore, #tpu.memory_space<semaphore_mem>>) src(%dma_wait3A_400 : memref<100000x64xf32, #tpu.memory_space<hbm>>) dst(%dma_wait3A_396 : memref<128x64xf32, #tpu.memory_space<vmem>>)
      %mul3A_401 = arith.constant 128 : i32
      %mul3A_402 = arith.muli %add3A_389, %mul3A_401 : i32
      %add3A_403 = arith.addi %mul3A_2, %mul3A_402 : i32
      %dma_start3A_404 = arith.constant 3 : i32
      %dma_start3A_405 = arith.constant 0 : i32
      %dma_start3A_406 = arith.constant 0 : i32
      %dma_start3A_407 = tpu.memref_slice %arg6[%dma_start3A_404, %dma_start3A_405, %dma_start3A_406] : memref<10x128x64xf32, #tpu.memory_space<vmem>> -> memref<1x128x64xf32, #tpu.memory_space<vmem>>
      %dma_start3A_408 = tpu.memref_squeeze %dma_start3A_407 : memref<1x128x64xf32, #tpu.memory_space<vmem>> -> memref<128x64xf32, #tpu.memory_space<vmem>>
      %dma_start3A_409 = arith.constant 0 : i32
      %dma_start3A_410 = tpu.memref_slice %arg4[%add3A_403, %dma_start3A_409] : memref<204800x64xf32, #tpu.memory_space<hbm>> -> memref<128x64xf32, #tpu.memory_space<hbm>>
      %dma_start3A_411 = arith.constant 0 : i32
      %dma_start3A_412 = tpu.memref_slice %arg4[%add3A_403, %dma_start3A_411] : memref<204800x64xf32, #tpu.memory_space<hbm>> -> memref<128x64xf32, #tpu.memory_space<hbm>>
      %dma_start3A_413 = arith.constant 0 : i32
      %dma_start3A_414 = arith.constant 0 : i32
      %dma_start3A_415 = tpu.memref_slice %arg6[%dma_start3A_404, %dma_start3A_413, %dma_start3A_414] : memref<10x128x64xf32, #tpu.memory_space<vmem>> -> memref<1x128x64xf32, #tpu.memory_space<vmem>>
      %dma_start3A_416 = tpu.memref_squeeze %dma_start3A_415 : memref<1x128x64xf32, #tpu.memory_space<vmem>> -> memref<128x64xf32, #tpu.memory_space<vmem>>
      tpu.enqueue_dma source(%dma_start3A_416 : memref<128x64xf32, #tpu.memory_space<vmem>>) target(%dma_start3A_412 : memref<128x64xf32, #tpu.memory_space<hbm>>) target_semaphore(%arg20 : memref<!tpu.dma_semaphore, #tpu.memory_space<semaphore_mem>>)
      %sub3A_417 = arith.constant 1 : i32
      %sub3A_418 = arith.subi %add3A_389, %sub3A_417 : i32
      %add3A_419 = arith.constant 10 : i32
      %add3A_420 = arith.addi %add3A_389, %add3A_419 : i32
      %sub3A_421 = arith.constant 1 : i32
      %sub3A_422 = arith.subi %add3A_420, %sub3A_421 : i32
      %ge3A_423 = arith.constant 0 : i32
      %ge3A_424 = arith.cmpi sge, %sub3A_418, %ge3A_423 : i32
      %lt3A_425 = arith.constant 50 : i32
      %lt3A_426 = arith.cmpi slt, %sub3A_422, %lt3A_425 : i32
      %and3A_427 = arith.andi %ge3A_424, %lt3A_426 : i1
      %convert_element_type3A_428 = arith.extui %and3A_427 : i1 to i32
      %cond3A_429 = arith.constant 0 : i32
      %cond3A_430 = arith.cmpi ne, %convert_element_type3A_428, %cond3A_429 : i32
      scf.if %cond3A_430 {
        %mul3A_701 = arith.constant 128 : i32
        %mul3A_702 = arith.muli %sub3A_418, %mul3A_701 : i32
        %add3A_703 = arith.addi %mul3A_2, %mul3A_702 : i32
        %dma_wait3A_704 = arith.constant 2 : i32
        %dma_wait3A_705 = arith.constant 0 : i32
        %dma_wait3A_706 = arith.constant 0 : i32
        %dma_wait3A_707 = tpu.memref_slice %arg6[%dma_wait3A_704, %dma_wait3A_705, %dma_wait3A_706] : memref<10x128x64xf32, #tpu.memory_space<vmem>> -> memref<1x128x64xf32, #tpu.memory_space<vmem>>
        %dma_wait3A_708 = tpu.memref_squeeze %dma_wait3A_707 : memref<1x128x64xf32, #tpu.memory_space<vmem>> -> memref<128x64xf32, #tpu.memory_space<vmem>>
        %dma_wait3A_709 = arith.constant 0 : i32
        %dma_wait3A_710 = tpu.memref_slice %arg4[%add3A_703, %dma_wait3A_709] : memref<204800x64xf32, #tpu.memory_space<hbm>> -> memref<128x64xf32, #tpu.memory_space<hbm>>
        %dma_wait3A_711 = arith.constant 0 : i32
        %dma_wait3A_712 = tpu.memref_slice %arg4[%add3A_703, %dma_wait3A_711] : memref<204800x64xf32, #tpu.memory_space<hbm>> -> memref<128x64xf32, #tpu.memory_space<hbm>>
        %dma_wait3A_713 = arith.constant 0 : i32
        %dma_wait3A_714 = arith.constant 0 : i32
        %dma_wait3A_715 = tpu.memref_slice %arg6[%dma_wait3A_704, %dma_wait3A_713, %dma_wait3A_714] : memref<10x128x64xf32, #tpu.memory_space<vmem>> -> memref<1x128x64xf32, #tpu.memory_space<vmem>>
        %dma_wait3A_716 = tpu.memref_squeeze %dma_wait3A_715 : memref<1x128x64xf32, #tpu.memory_space<vmem>> -> memref<128x64xf32, #tpu.memory_space<vmem>>
        tpu.wait_dma2 semaphore(%arg19 : memref<!tpu.dma_semaphore, #tpu.memory_space<semaphore_mem>>) src(%dma_wait3A_716 : memref<128x64xf32, #tpu.memory_space<vmem>>) dst(%dma_wait3A_712 : memref<128x64xf32, #tpu.memory_space<hbm>>)
        %mul3A_717 = arith.constant 128 : i32
        %mul3A_718 = arith.muli %sub3A_422, %mul3A_717 : i32
        %dma_start3A_719 = arith.constant 2 : i32
        %dma_start3A_720 = arith.constant 0 : i32
        %dma_start3A_721 = arith.constant 0 : i32
        %dma_start3A_722 = tpu.memref_slice %arg6[%dma_start3A_719, %dma_start3A_720, %dma_start3A_721] : memref<10x128x64xf32, #tpu.memory_space<vmem>> -> memref<1x128x64xf32, #tpu.memory_space<vmem>>
        %dma_start3A_723 = tpu.memref_squeeze %dma_start3A_722 : memref<1x128x64xf32, #tpu.memory_space<vmem>> -> memref<128x64xf32, #tpu.memory_space<vmem>>
        %dma_start3A_724 = tpu.memref_slice %arg5[%mul3A_718] : memref<6400xi32, #tpu.memory_space<vmem>> -> memref<128xi32, #tpu.memory_space<vmem>>
        %dma_start3A_725 = arith.constant 0 : i32
        %dma_start3A_726 = arith.constant 0 : i32
        %dma_start3A_727 = tpu.memref_slice %arg2[%dma_start3A_725, %dma_start3A_726] : memref<100000x64xf32, #tpu.memory_space<hbm>> -> memref<100000x64xf32, #tpu.memory_space<hbm>>
        tpu.enqueue_indirect_dma source(%dma_start3A_727 : memref<100000x64xf32, #tpu.memory_space<hbm>>) target(%dma_start3A_723 : memref<128x64xf32, #tpu.memory_space<vmem>>) offsets(%dma_start3A_724 : memref<128xi32, #tpu.memory_space<vmem>>) semaphore(%arg9 : memref<!tpu.dma_semaphore, #tpu.memory_space<semaphore_mem>>)
      } else {
      }
      %mul3A_431 = arith.constant 10 : i32
      %mul3A_432 = arith.muli %scan3A_256, %mul3A_431 : i32
      %add3A_433 = arith.constant 4 : i32
      %add3A_434 = arith.addi %mul3A_432, %add3A_433 : i32
      %mul3A_435 = arith.constant 128 : i32
      %mul3A_436 = arith.muli %add3A_434, %mul3A_435 : i32
      %dma_wait3A_437 = arith.constant 4 : i32
      %dma_wait3A_438 = arith.constant 0 : i32
      %dma_wait3A_439 = arith.constant 0 : i32
      %dma_wait3A_440 = tpu.memref_slice %arg6[%dma_wait3A_437, %dma_wait3A_438, %dma_wait3A_439] : memref<10x128x64xf32, #tpu.memory_space<vmem>> -> memref<1x128x64xf32, #tpu.memory_space<vmem>>
      %dma_wait3A_441 = tpu.memref_squeeze %dma_wait3A_440 : memref<1x128x64xf32, #tpu.memory_space<vmem>> -> memref<128x64xf32, #tpu.memory_space<vmem>>
      %dma_wait3A_442 = tpu.memref_slice %arg5[%mul3A_436] : memref<6400xi32, #tpu.memory_space<vmem>> -> memref<128xi32, #tpu.memory_space<vmem>>
      %dma_wait3A_443 = arith.constant 0 : i32
      %dma_wait3A_444 = arith.constant 0 : i32
      %dma_wait3A_445 = tpu.memref_slice %arg2[%dma_wait3A_443, %dma_wait3A_444] : memref<100000x64xf32, #tpu.memory_space<hbm>> -> memref<100000x64xf32, #tpu.memory_space<hbm>>
      tpu.wait_indirect_dma semaphore(%arg11 : memref<!tpu.dma_semaphore, #tpu.memory_space<semaphore_mem>>) src(%dma_wait3A_445 : memref<100000x64xf32, #tpu.memory_space<hbm>>) dst(%dma_wait3A_441 : memref<128x64xf32, #tpu.memory_space<vmem>>)
      %mul3A_446 = arith.constant 128 : i32
      %mul3A_447 = arith.muli %add3A_434, %mul3A_446 : i32
      %add3A_448 = arith.addi %mul3A_2, %mul3A_447 : i32
      %dma_start3A_449 = arith.constant 4 : i32
      %dma_start3A_450 = arith.constant 0 : i32
      %dma_start3A_451 = arith.constant 0 : i32
      %dma_start3A_452 = tpu.memref_slice %arg6[%dma_start3A_449, %dma_start3A_450, %dma_start3A_451] : memref<10x128x64xf32, #tpu.memory_space<vmem>> -> memref<1x128x64xf32, #tpu.memory_space<vmem>>
      %dma_start3A_453 = tpu.memref_squeeze %dma_start3A_452 : memref<1x128x64xf32, #tpu.memory_space<vmem>> -> memref<128x64xf32, #tpu.memory_space<vmem>>
      %dma_start3A_454 = arith.constant 0 : i32
      %dma_start3A_455 = tpu.memref_slice %arg4[%add3A_448, %dma_start3A_454] : memref<204800x64xf32, #tpu.memory_space<hbm>> -> memref<128x64xf32, #tpu.memory_space<hbm>>
      %dma_start3A_456 = arith.constant 0 : i32
      %dma_start3A_457 = tpu.memref_slice %arg4[%add3A_448, %dma_start3A_456] : memref<204800x64xf32, #tpu.memory_space<hbm>> -> memref<128x64xf32, #tpu.memory_space<hbm>>
      %dma_start3A_458 = arith.constant 0 : i32
      %dma_start3A_459 = arith.constant 0 : i32
      %dma_start3A_460 = tpu.memref_slice %arg6[%dma_start3A_449, %dma_start3A_458, %dma_start3A_459] : memref<10x128x64xf32, #tpu.memory_space<vmem>> -> memref<1x128x64xf32, #tpu.memory_space<vmem>>
      %dma_start3A_461 = tpu.memref_squeeze %dma_start3A_460 : memref<1x128x64xf32, #tpu.memory_space<vmem>> -> memref<128x64xf32, #tpu.memory_space<vmem>>
      tpu.enqueue_dma source(%dma_start3A_461 : memref<128x64xf32, #tpu.memory_space<vmem>>) target(%dma_start3A_457 : memref<128x64xf32, #tpu.memory_space<hbm>>) target_semaphore(%arg21 : memref<!tpu.dma_semaphore, #tpu.memory_space<semaphore_mem>>)
      %sub3A_462 = arith.constant 1 : i32
      %sub3A_463 = arith.subi %add3A_434, %sub3A_462 : i32
      %add3A_464 = arith.constant 10 : i32
      %add3A_465 = arith.addi %add3A_434, %add3A_464 : i32
      %sub3A_466 = arith.constant 1 : i32
      %sub3A_467 = arith.subi %add3A_465, %sub3A_466 : i32
      %ge3A_468 = arith.constant 0 : i32
      %ge3A_469 = arith.cmpi sge, %sub3A_463, %ge3A_468 : i32
      %lt3A_470 = arith.constant 50 : i32
      %lt3A_471 = arith.cmpi slt, %sub3A_467, %lt3A_470 : i32
      %and3A_472 = arith.andi %ge3A_469, %lt3A_471 : i1
      %convert_element_type3A_473 = arith.extui %and3A_472 : i1 to i32
      %cond3A_474 = arith.constant 0 : i32
      %cond3A_475 = arith.cmpi ne, %convert_element_type3A_473, %cond3A_474 : i32
      scf.if %cond3A_475 {
        %mul3A_701 = arith.constant 128 : i32
        %mul3A_702 = arith.muli %sub3A_463, %mul3A_701 : i32
        %add3A_703 = arith.addi %mul3A_2, %mul3A_702 : i32
        %dma_wait3A_704 = arith.constant 3 : i32
        %dma_wait3A_705 = arith.constant 0 : i32
        %dma_wait3A_706 = arith.constant 0 : i32
        %dma_wait3A_707 = tpu.memref_slice %arg6[%dma_wait3A_704, %dma_wait3A_705, %dma_wait3A_706] : memref<10x128x64xf32, #tpu.memory_space<vmem>> -> memref<1x128x64xf32, #tpu.memory_space<vmem>>
        %dma_wait3A_708 = tpu.memref_squeeze %dma_wait3A_707 : memref<1x128x64xf32, #tpu.memory_space<vmem>> -> memref<128x64xf32, #tpu.memory_space<vmem>>
        %dma_wait3A_709 = arith.constant 0 : i32
        %dma_wait3A_710 = tpu.memref_slice %arg4[%add3A_703, %dma_wait3A_709] : memref<204800x64xf32, #tpu.memory_space<hbm>> -> memref<128x64xf32, #tpu.memory_space<hbm>>
        %dma_wait3A_711 = arith.constant 0 : i32
        %dma_wait3A_712 = tpu.memref_slice %arg4[%add3A_703, %dma_wait3A_711] : memref<204800x64xf32, #tpu.memory_space<hbm>> -> memref<128x64xf32, #tpu.memory_space<hbm>>
        %dma_wait3A_713 = arith.constant 0 : i32
        %dma_wait3A_714 = arith.constant 0 : i32
        %dma_wait3A_715 = tpu.memref_slice %arg6[%dma_wait3A_704, %dma_wait3A_713, %dma_wait3A_714] : memref<10x128x64xf32, #tpu.memory_space<vmem>> -> memref<1x128x64xf32, #tpu.memory_space<vmem>>
        %dma_wait3A_716 = tpu.memref_squeeze %dma_wait3A_715 : memref<1x128x64xf32, #tpu.memory_space<vmem>> -> memref<128x64xf32, #tpu.memory_space<vmem>>
        tpu.wait_dma2 semaphore(%arg20 : memref<!tpu.dma_semaphore, #tpu.memory_space<semaphore_mem>>) src(%dma_wait3A_716 : memref<128x64xf32, #tpu.memory_space<vmem>>) dst(%dma_wait3A_712 : memref<128x64xf32, #tpu.memory_space<hbm>>)
        %mul3A_717 = arith.constant 128 : i32
        %mul3A_718 = arith.muli %sub3A_467, %mul3A_717 : i32
        %dma_start3A_719 = arith.constant 3 : i32
        %dma_start3A_720 = arith.constant 0 : i32
        %dma_start3A_721 = arith.constant 0 : i32
        %dma_start3A_722 = tpu.memref_slice %arg6[%dma_start3A_719, %dma_start3A_720, %dma_start3A_721] : memref<10x128x64xf32, #tpu.memory_space<vmem>> -> memref<1x128x64xf32, #tpu.memory_space<vmem>>
        %dma_start3A_723 = tpu.memref_squeeze %dma_start3A_722 : memref<1x128x64xf32, #tpu.memory_space<vmem>> -> memref<128x64xf32, #tpu.memory_space<vmem>>
        %dma_start3A_724 = tpu.memref_slice %arg5[%mul3A_718] : memref<6400xi32, #tpu.memory_space<vmem>> -> memref<128xi32, #tpu.memory_space<vmem>>
        %dma_start3A_725 = arith.constant 0 : i32
        %dma_start3A_726 = arith.constant 0 : i32
        %dma_start3A_727 = tpu.memref_slice %arg2[%dma_start3A_725, %dma_start3A_726] : memref<100000x64xf32, #tpu.memory_space<hbm>> -> memref<100000x64xf32, #tpu.memory_space<hbm>>
        tpu.enqueue_indirect_dma source(%dma_start3A_727 : memref<100000x64xf32, #tpu.memory_space<hbm>>) target(%dma_start3A_723 : memref<128x64xf32, #tpu.memory_space<vmem>>) offsets(%dma_start3A_724 : memref<128xi32, #tpu.memory_space<vmem>>) semaphore(%arg10 : memref<!tpu.dma_semaphore, #tpu.memory_space<semaphore_mem>>)
      } else {
      }
      %mul3A_476 = arith.constant 10 : i32
      %mul3A_477 = arith.muli %scan3A_256, %mul3A_476 : i32
      %add3A_478 = arith.constant 5 : i32
      %add3A_479 = arith.addi %mul3A_477, %add3A_478 : i32
      %mul3A_480 = arith.constant 128 : i32
      %mul3A_481 = arith.muli %add3A_479, %mul3A_480 : i32
      %dma_wait3A_482 = arith.constant 5 : i32
      %dma_wait3A_483 = arith.constant 0 : i32
      %dma_wait3A_484 = arith.constant 0 : i32
      %dma_wait3A_485 = tpu.memref_slice %arg6[%dma_wait3A_482, %dma_wait3A_483, %dma_wait3A_484] : memref<10x128x64xf32, #tpu.memory_space<vmem>> -> memref<1x128x64xf32, #tpu.memory_space<vmem>>
      %dma_wait3A_486 = tpu.memref_squeeze %dma_wait3A_485 : memref<1x128x64xf32, #tpu.memory_space<vmem>> -> memref<128x64xf32, #tpu.memory_space<vmem>>
      %dma_wait3A_487 = tpu.memref_slice %arg5[%mul3A_481] : memref<6400xi32, #tpu.memory_space<vmem>> -> memref<128xi32, #tpu.memory_space<vmem>>
      %dma_wait3A_488 = arith.constant 0 : i32
      %dma_wait3A_489 = arith.constant 0 : i32
      %dma_wait3A_490 = tpu.memref_slice %arg2[%dma_wait3A_488, %dma_wait3A_489] : memref<100000x64xf32, #tpu.memory_space<hbm>> -> memref<100000x64xf32, #tpu.memory_space<hbm>>
      tpu.wait_indirect_dma semaphore(%arg12 : memref<!tpu.dma_semaphore, #tpu.memory_space<semaphore_mem>>) src(%dma_wait3A_490 : memref<100000x64xf32, #tpu.memory_space<hbm>>) dst(%dma_wait3A_486 : memref<128x64xf32, #tpu.memory_space<vmem>>)
      %mul3A_491 = arith.constant 128 : i32
      %mul3A_492 = arith.muli %add3A_479, %mul3A_491 : i32
      %add3A_493 = arith.addi %mul3A_2, %mul3A_492 : i32
      %dma_start3A_494 = arith.constant 5 : i32
      %dma_start3A_495 = arith.constant 0 : i32
      %dma_start3A_496 = arith.constant 0 : i32
      %dma_start3A_497 = tpu.memref_slice %arg6[%dma_start3A_494, %dma_start3A_495, %dma_start3A_496] : memref<10x128x64xf32, #tpu.memory_space<vmem>> -> memref<1x128x64xf32, #tpu.memory_space<vmem>>
      %dma_start3A_498 = tpu.memref_squeeze %dma_start3A_497 : memref<1x128x64xf32, #tpu.memory_space<vmem>> -> memref<128x64xf32, #tpu.memory_space<vmem>>
      %dma_start3A_499 = arith.constant 0 : i32
      %dma_start3A_500 = tpu.memref_slice %arg4[%add3A_493, %dma_start3A_499] : memref<204800x64xf32, #tpu.memory_space<hbm>> -> memref<128x64xf32, #tpu.memory_space<hbm>>
      %dma_start3A_501 = arith.constant 0 : i32
      %dma_start3A_502 = tpu.memref_slice %arg4[%add3A_493, %dma_start3A_501] : memref<204800x64xf32, #tpu.memory_space<hbm>> -> memref<128x64xf32, #tpu.memory_space<hbm>>
      %dma_start3A_503 = arith.constant 0 : i32
      %dma_start3A_504 = arith.constant 0 : i32
      %dma_start3A_505 = tpu.memref_slice %arg6[%dma_start3A_494, %dma_start3A_503, %dma_start3A_504] : memref<10x128x64xf32, #tpu.memory_space<vmem>> -> memref<1x128x64xf32, #tpu.memory_space<vmem>>
      %dma_start3A_506 = tpu.memref_squeeze %dma_start3A_505 : memref<1x128x64xf32, #tpu.memory_space<vmem>> -> memref<128x64xf32, #tpu.memory_space<vmem>>
      tpu.enqueue_dma source(%dma_start3A_506 : memref<128x64xf32, #tpu.memory_space<vmem>>) target(%dma_start3A_502 : memref<128x64xf32, #tpu.memory_space<hbm>>) target_semaphore(%arg22 : memref<!tpu.dma_semaphore, #tpu.memory_space<semaphore_mem>>)
      %sub3A_507 = arith.constant 1 : i32
      %sub3A_508 = arith.subi %add3A_479, %sub3A_507 : i32
      %add3A_509 = arith.constant 10 : i32
      %add3A_510 = arith.addi %add3A_479, %add3A_509 : i32
      %sub3A_511 = arith.constant 1 : i32
      %sub3A_512 = arith.subi %add3A_510, %sub3A_511 : i32
      %ge3A_513 = arith.constant 0 : i32
      %ge3A_514 = arith.cmpi sge, %sub3A_508, %ge3A_513 : i32
      %lt3A_515 = arith.constant 50 : i32
      %lt3A_516 = arith.cmpi slt, %sub3A_512, %lt3A_515 : i32
      %and3A_517 = arith.andi %ge3A_514, %lt3A_516 : i1
      %convert_element_type3A_518 = arith.extui %and3A_517 : i1 to i32
      %cond3A_519 = arith.constant 0 : i32
      %cond3A_520 = arith.cmpi ne, %convert_element_type3A_518, %cond3A_519 : i32
      scf.if %cond3A_520 {
        %mul3A_701 = arith.constant 128 : i32
        %mul3A_702 = arith.muli %sub3A_508, %mul3A_701 : i32
        %add3A_703 = arith.addi %mul3A_2, %mul3A_702 : i32
        %dma_wait3A_704 = arith.constant 4 : i32
        %dma_wait3A_705 = arith.constant 0 : i32
        %dma_wait3A_706 = arith.constant 0 : i32
        %dma_wait3A_707 = tpu.memref_slice %arg6[%dma_wait3A_704, %dma_wait3A_705, %dma_wait3A_706] : memref<10x128x64xf32, #tpu.memory_space<vmem>> -> memref<1x128x64xf32, #tpu.memory_space<vmem>>
        %dma_wait3A_708 = tpu.memref_squeeze %dma_wait3A_707 : memref<1x128x64xf32, #tpu.memory_space<vmem>> -> memref<128x64xf32, #tpu.memory_space<vmem>>
        %dma_wait3A_709 = arith.constant 0 : i32
        %dma_wait3A_710 = tpu.memref_slice %arg4[%add3A_703, %dma_wait3A_709] : memref<204800x64xf32, #tpu.memory_space<hbm>> -> memref<128x64xf32, #tpu.memory_space<hbm>>
        %dma_wait3A_711 = arith.constant 0 : i32
        %dma_wait3A_712 = tpu.memref_slice %arg4[%add3A_703, %dma_wait3A_711] : memref<204800x64xf32, #tpu.memory_space<hbm>> -> memref<128x64xf32, #tpu.memory_space<hbm>>
        %dma_wait3A_713 = arith.constant 0 : i32
        %dma_wait3A_714 = arith.constant 0 : i32
        %dma_wait3A_715 = tpu.memref_slice %arg6[%dma_wait3A_704, %dma_wait3A_713, %dma_wait3A_714] : memref<10x128x64xf32, #tpu.memory_space<vmem>> -> memref<1x128x64xf32, #tpu.memory_space<vmem>>
        %dma_wait3A_716 = tpu.memref_squeeze %dma_wait3A_715 : memref<1x128x64xf32, #tpu.memory_space<vmem>> -> memref<128x64xf32, #tpu.memory_space<vmem>>
        tpu.wait_dma2 semaphore(%arg21 : memref<!tpu.dma_semaphore, #tpu.memory_space<semaphore_mem>>) src(%dma_wait3A_716 : memref<128x64xf32, #tpu.memory_space<vmem>>) dst(%dma_wait3A_712 : memref<128x64xf32, #tpu.memory_space<hbm>>)
        %mul3A_717 = arith.constant 128 : i32
        %mul3A_718 = arith.muli %sub3A_512, %mul3A_717 : i32
        %dma_start3A_719 = arith.constant 4 : i32
        %dma_start3A_720 = arith.constant 0 : i32
        %dma_start3A_721 = arith.constant 0 : i32
        %dma_start3A_722 = tpu.memref_slice %arg6[%dma_start3A_719, %dma_start3A_720, %dma_start3A_721] : memref<10x128x64xf32, #tpu.memory_space<vmem>> -> memref<1x128x64xf32, #tpu.memory_space<vmem>>
        %dma_start3A_723 = tpu.memref_squeeze %dma_start3A_722 : memref<1x128x64xf32, #tpu.memory_space<vmem>> -> memref<128x64xf32, #tpu.memory_space<vmem>>
        %dma_start3A_724 = tpu.memref_slice %arg5[%mul3A_718] : memref<6400xi32, #tpu.memory_space<vmem>> -> memref<128xi32, #tpu.memory_space<vmem>>
        %dma_start3A_725 = arith.constant 0 : i32
        %dma_start3A_726 = arith.constant 0 : i32
        %dma_start3A_727 = tpu.memref_slice %arg2[%dma_start3A_725, %dma_start3A_726] : memref<100000x64xf32, #tpu.memory_space<hbm>> -> memref<100000x64xf32, #tpu.memory_space<hbm>>
        tpu.enqueue_indirect_dma source(%dma_start3A_727 : memref<100000x64xf32, #tpu.memory_space<hbm>>) target(%dma_start3A_723 : memref<128x64xf32, #tpu.memory_space<vmem>>) offsets(%dma_start3A_724 : memref<128xi32, #tpu.memory_space<vmem>>) semaphore(%arg11 : memref<!tpu.dma_semaphore, #tpu.memory_space<semaphore_mem>>)
      } else {
      }
      %mul3A_521 = arith.constant 10 : i32
      %mul3A_522 = arith.muli %scan3A_256, %mul3A_521 : i32
      %add3A_523 = arith.constant 6 : i32
      %add3A_524 = arith.addi %mul3A_522, %add3A_523 : i32
      %mul3A_525 = arith.constant 128 : i32
      %mul3A_526 = arith.muli %add3A_524, %mul3A_525 : i32
      %dma_wait3A_527 = arith.constant 6 : i32
      %dma_wait3A_528 = arith.constant 0 : i32
      %dma_wait3A_529 = arith.constant 0 : i32
      %dma_wait3A_530 = tpu.memref_slice %arg6[%dma_wait3A_527, %dma_wait3A_528, %dma_wait3A_529] : memref<10x128x64xf32, #tpu.memory_space<vmem>> -> memref<1x128x64xf32, #tpu.memory_space<vmem>>
      %dma_wait3A_531 = tpu.memref_squeeze %dma_wait3A_530 : memref<1x128x64xf32, #tpu.memory_space<vmem>> -> memref<128x64xf32, #tpu.memory_space<vmem>>
      %dma_wait3A_532 = tpu.memref_slice %arg5[%mul3A_526] : memref<6400xi32, #tpu.memory_space<vmem>> -> memref<128xi32, #tpu.memory_space<vmem>>
      %dma_wait3A_533 = arith.constant 0 : i32
      %dma_wait3A_534 = arith.constant 0 : i32
      %dma_wait3A_535 = tpu.memref_slice %arg2[%dma_wait3A_533, %dma_wait3A_534] : memref<100000x64xf32, #tpu.memory_space<hbm>> -> memref<100000x64xf32, #tpu.memory_space<hbm>>
      tpu.wait_indirect_dma semaphore(%arg13 : memref<!tpu.dma_semaphore, #tpu.memory_space<semaphore_mem>>) src(%dma_wait3A_535 : memref<100000x64xf32, #tpu.memory_space<hbm>>) dst(%dma_wait3A_531 : memref<128x64xf32, #tpu.memory_space<vmem>>)
      %mul3A_536 = arith.constant 128 : i32
      %mul3A_537 = arith.muli %add3A_524, %mul3A_536 : i32
      %add3A_538 = arith.addi %mul3A_2, %mul3A_537 : i32
      %dma_start3A_539 = arith.constant 6 : i32
      %dma_start3A_540 = arith.constant 0 : i32
      %dma_start3A_541 = arith.constant 0 : i32
      %dma_start3A_542 = tpu.memref_slice %arg6[%dma_start3A_539, %dma_start3A_540, %dma_start3A_541] : memref<10x128x64xf32, #tpu.memory_space<vmem>> -> memref<1x128x64xf32, #tpu.memory_space<vmem>>
      %dma_start3A_543 = tpu.memref_squeeze %dma_start3A_542 : memref<1x128x64xf32, #tpu.memory_space<vmem>> -> memref<128x64xf32, #tpu.memory_space<vmem>>
      %dma_start3A_544 = arith.constant 0 : i32
      %dma_start3A_545 = tpu.memref_slice %arg4[%add3A_538, %dma_start3A_544] : memref<204800x64xf32, #tpu.memory_space<hbm>> -> memref<128x64xf32, #tpu.memory_space<hbm>>
      %dma_start3A_546 = arith.constant 0 : i32
      %dma_start3A_547 = tpu.memref_slice %arg4[%add3A_538, %dma_start3A_546] : memref<204800x64xf32, #tpu.memory_space<hbm>> -> memref<128x64xf32, #tpu.memory_space<hbm>>
      %dma_start3A_548 = arith.constant 0 : i32
      %dma_start3A_549 = arith.constant 0 : i32
      %dma_start3A_550 = tpu.memref_slice %arg6[%dma_start3A_539, %dma_start3A_548, %dma_start3A_549] : memref<10x128x64xf32, #tpu.memory_space<vmem>> -> memref<1x128x64xf32, #tpu.memory_space<vmem>>
      %dma_start3A_551 = tpu.memref_squeeze %dma_start3A_550 : memref<1x128x64xf32, #tpu.memory_space<vmem>> -> memref<128x64xf32, #tpu.memory_space<vmem>>
      tpu.enqueue_dma source(%dma_start3A_551 : memref<128x64xf32, #tpu.memory_space<vmem>>) target(%dma_start3A_547 : memref<128x64xf32, #tpu.memory_space<hbm>>) target_semaphore(%arg23 : memref<!tpu.dma_semaphore, #tpu.memory_space<semaphore_mem>>)
      %sub3A_552 = arith.constant 1 : i32
      %sub3A_553 = arith.subi %add3A_524, %sub3A_552 : i32
      %add3A_554 = arith.constant 10 : i32
      %add3A_555 = arith.addi %add3A_524, %add3A_554 : i32
      %sub3A_556 = arith.constant 1 : i32
      %sub3A_557 = arith.subi %add3A_555, %sub3A_556 : i32
      %ge3A_558 = arith.constant 0 : i32
      %ge3A_559 = arith.cmpi sge, %sub3A_553, %ge3A_558 : i32
      %lt3A_560 = arith.constant 50 : i32
      %lt3A_561 = arith.cmpi slt, %sub3A_557, %lt3A_560 : i32
      %and3A_562 = arith.andi %ge3A_559, %lt3A_561 : i1
      %convert_element_type3A_563 = arith.extui %and3A_562 : i1 to i32
      %cond3A_564 = arith.constant 0 : i32
      %cond3A_565 = arith.cmpi ne, %convert_element_type3A_563, %cond3A_564 : i32
      scf.if %cond3A_565 {
        %mul3A_701 = arith.constant 128 : i32
        %mul3A_702 = arith.muli %sub3A_553, %mul3A_701 : i32
        %add3A_703 = arith.addi %mul3A_2, %mul3A_702 : i32
        %dma_wait3A_704 = arith.constant 5 : i32
        %dma_wait3A_705 = arith.constant 0 : i32
        %dma_wait3A_706 = arith.constant 0 : i32
        %dma_wait3A_707 = tpu.memref_slice %arg6[%dma_wait3A_704, %dma_wait3A_705, %dma_wait3A_706] : memref<10x128x64xf32, #tpu.memory_space<vmem>> -> memref<1x128x64xf32, #tpu.memory_space<vmem>>
        %dma_wait3A_708 = tpu.memref_squeeze %dma_wait3A_707 : memref<1x128x64xf32, #tpu.memory_space<vmem>> -> memref<128x64xf32, #tpu.memory_space<vmem>>
        %dma_wait3A_709 = arith.constant 0 : i32
        %dma_wait3A_710 = tpu.memref_slice %arg4[%add3A_703, %dma_wait3A_709] : memref<204800x64xf32, #tpu.memory_space<hbm>> -> memref<128x64xf32, #tpu.memory_space<hbm>>
        %dma_wait3A_711 = arith.constant 0 : i32
        %dma_wait3A_712 = tpu.memref_slice %arg4[%add3A_703, %dma_wait3A_711] : memref<204800x64xf32, #tpu.memory_space<hbm>> -> memref<128x64xf32, #tpu.memory_space<hbm>>
        %dma_wait3A_713 = arith.constant 0 : i32
        %dma_wait3A_714 = arith.constant 0 : i32
        %dma_wait3A_715 = tpu.memref_slice %arg6[%dma_wait3A_704, %dma_wait3A_713, %dma_wait3A_714] : memref<10x128x64xf32, #tpu.memory_space<vmem>> -> memref<1x128x64xf32, #tpu.memory_space<vmem>>
        %dma_wait3A_716 = tpu.memref_squeeze %dma_wait3A_715 : memref<1x128x64xf32, #tpu.memory_space<vmem>> -> memref<128x64xf32, #tpu.memory_space<vmem>>
        tpu.wait_dma2 semaphore(%arg22 : memref<!tpu.dma_semaphore, #tpu.memory_space<semaphore_mem>>) src(%dma_wait3A_716 : memref<128x64xf32, #tpu.memory_space<vmem>>) dst(%dma_wait3A_712 : memref<128x64xf32, #tpu.memory_space<hbm>>)
        %mul3A_717 = arith.constant 128 : i32
        %mul3A_718 = arith.muli %sub3A_557, %mul3A_717 : i32
        %dma_start3A_719 = arith.constant 5 : i32
        %dma_start3A_720 = arith.constant 0 : i32
        %dma_start3A_721 = arith.constant 0 : i32
        %dma_start3A_722 = tpu.memref_slice %arg6[%dma_start3A_719, %dma_start3A_720, %dma_start3A_721] : memref<10x128x64xf32, #tpu.memory_space<vmem>> -> memref<1x128x64xf32, #tpu.memory_space<vmem>>
        %dma_start3A_723 = tpu.memref_squeeze %dma_start3A_722 : memref<1x128x64xf32, #tpu.memory_space<vmem>> -> memref<128x64xf32, #tpu.memory_space<vmem>>
        %dma_start3A_724 = tpu.memref_slice %arg5[%mul3A_718] : memref<6400xi32, #tpu.memory_space<vmem>> -> memref<128xi32, #tpu.memory_space<vmem>>
        %dma_start3A_725 = arith.constant 0 : i32
        %dma_start3A_726 = arith.constant 0 : i32
        %dma_start3A_727 = tpu.memref_slice %arg2[%dma_start3A_725, %dma_start3A_726] : memref<100000x64xf32, #tpu.memory_space<hbm>> -> memref<100000x64xf32, #tpu.memory_space<hbm>>
        tpu.enqueue_indirect_dma source(%dma_start3A_727 : memref<100000x64xf32, #tpu.memory_space<hbm>>) target(%dma_start3A_723 : memref<128x64xf32, #tpu.memory_space<vmem>>) offsets(%dma_start3A_724 : memref<128xi32, #tpu.memory_space<vmem>>) semaphore(%arg12 : memref<!tpu.dma_semaphore, #tpu.memory_space<semaphore_mem>>)
      } else {
      }
      %mul3A_566 = arith.constant 10 : i32
      %mul3A_567 = arith.muli %scan3A_256, %mul3A_566 : i32
      %add3A_568 = arith.constant 7 : i32
      %add3A_569 = arith.addi %mul3A_567, %add3A_568 : i32
      %mul3A_570 = arith.constant 128 : i32
      %mul3A_571 = arith.muli %add3A_569, %mul3A_570 : i32
      %dma_wait3A_572 = arith.constant 7 : i32
      %dma_wait3A_573 = arith.constant 0 : i32
      %dma_wait3A_574 = arith.constant 0 : i32
      %dma_wait3A_575 = tpu.memref_slice %arg6[%dma_wait3A_572, %dma_wait3A_573, %dma_wait3A_574] : memref<10x128x64xf32, #tpu.memory_space<vmem>> -> memref<1x128x64xf32, #tpu.memory_space<vmem>>
      %dma_wait3A_576 = tpu.memref_squeeze %dma_wait3A_575 : memref<1x128x64xf32, #tpu.memory_space<vmem>> -> memref<128x64xf32, #tpu.memory_space<vmem>>
      %dma_wait3A_577 = tpu.memref_slice %arg5[%mul3A_571] : memref<6400xi32, #tpu.memory_space<vmem>> -> memref<128xi32, #tpu.memory_space<vmem>>
      %dma_wait3A_578 = arith.constant 0 : i32
      %dma_wait3A_579 = arith.constant 0 : i32
      %dma_wait3A_580 = tpu.memref_slice %arg2[%dma_wait3A_578, %dma_wait3A_579] : memref<100000x64xf32, #tpu.memory_space<hbm>> -> memref<100000x64xf32, #tpu.memory_space<hbm>>
      tpu.wait_indirect_dma semaphore(%arg14 : memref<!tpu.dma_semaphore, #tpu.memory_space<semaphore_mem>>) src(%dma_wait3A_580 : memref<100000x64xf32, #tpu.memory_space<hbm>>) dst(%dma_wait3A_576 : memref<128x64xf32, #tpu.memory_space<vmem>>)
      %mul3A_581 = arith.constant 128 : i32
      %mul3A_582 = arith.muli %add3A_569, %mul3A_581 : i32
      %add3A_583 = arith.addi %mul3A_2, %mul3A_582 : i32
      %dma_start3A_584 = arith.constant 7 : i32
      %dma_start3A_585 = arith.constant 0 : i32
      %dma_start3A_586 = arith.constant 0 : i32
      %dma_start3A_587 = tpu.memref_slice %arg6[%dma_start3A_584, %dma_start3A_585, %dma_start3A_586] : memref<10x128x64xf32, #tpu.memory_space<vmem>> -> memref<1x128x64xf32, #tpu.memory_space<vmem>>
      %dma_start3A_588 = tpu.memref_squeeze %dma_start3A_587 : memref<1x128x64xf32, #tpu.memory_space<vmem>> -> memref<128x64xf32, #tpu.memory_space<vmem>>
      %dma_start3A_589 = arith.constant 0 : i32
      %dma_start3A_590 = tpu.memref_slice %arg4[%add3A_583, %dma_start3A_589] : memref<204800x64xf32, #tpu.memory_space<hbm>> -> memref<128x64xf32, #tpu.memory_space<hbm>>
      %dma_start3A_591 = arith.constant 0 : i32
      %dma_start3A_592 = tpu.memref_slice %arg4[%add3A_583, %dma_start3A_591] : memref<204800x64xf32, #tpu.memory_space<hbm>> -> memref<128x64xf32, #tpu.memory_space<hbm>>
      %dma_start3A_593 = arith.constant 0 : i32
      %dma_start3A_594 = arith.constant 0 : i32
      %dma_start3A_595 = tpu.memref_slice %arg6[%dma_start3A_584, %dma_start3A_593, %dma_start3A_594] : memref<10x128x64xf32, #tpu.memory_space<vmem>> -> memref<1x128x64xf32, #tpu.memory_space<vmem>>
      %dma_start3A_596 = tpu.memref_squeeze %dma_start3A_595 : memref<1x128x64xf32, #tpu.memory_space<vmem>> -> memref<128x64xf32, #tpu.memory_space<vmem>>
      tpu.enqueue_dma source(%dma_start3A_596 : memref<128x64xf32, #tpu.memory_space<vmem>>) target(%dma_start3A_592 : memref<128x64xf32, #tpu.memory_space<hbm>>) target_semaphore(%arg24 : memref<!tpu.dma_semaphore, #tpu.memory_space<semaphore_mem>>)
      %sub3A_597 = arith.constant 1 : i32
      %sub3A_598 = arith.subi %add3A_569, %sub3A_597 : i32
      %add3A_599 = arith.constant 10 : i32
      %add3A_600 = arith.addi %add3A_569, %add3A_599 : i32
      %sub3A_601 = arith.constant 1 : i32
      %sub3A_602 = arith.subi %add3A_600, %sub3A_601 : i32
      %ge3A_603 = arith.constant 0 : i32
      %ge3A_604 = arith.cmpi sge, %sub3A_598, %ge3A_603 : i32
      %lt3A_605 = arith.constant 50 : i32
      %lt3A_606 = arith.cmpi slt, %sub3A_602, %lt3A_605 : i32
      %and3A_607 = arith.andi %ge3A_604, %lt3A_606 : i1
      %convert_element_type3A_608 = arith.extui %and3A_607 : i1 to i32
      %cond3A_609 = arith.constant 0 : i32
      %cond3A_610 = arith.cmpi ne, %convert_element_type3A_608, %cond3A_609 : i32
      scf.if %cond3A_610 {
        %mul3A_701 = arith.constant 128 : i32
        %mul3A_702 = arith.muli %sub3A_598, %mul3A_701 : i32
        %add3A_703 = arith.addi %mul3A_2, %mul3A_702 : i32
        %dma_wait3A_704 = arith.constant 6 : i32
        %dma_wait3A_705 = arith.constant 0 : i32
        %dma_wait3A_706 = arith.constant 0 : i32
        %dma_wait3A_707 = tpu.memref_slice %arg6[%dma_wait3A_704, %dma_wait3A_705, %dma_wait3A_706] : memref<10x128x64xf32, #tpu.memory_space<vmem>> -> memref<1x128x64xf32, #tpu.memory_space<vmem>>
        %dma_wait3A_708 = tpu.memref_squeeze %dma_wait3A_707 : memref<1x128x64xf32, #tpu.memory_space<vmem>> -> memref<128x64xf32, #tpu.memory_space<vmem>>
        %dma_wait3A_709 = arith.constant 0 : i32
        %dma_wait3A_710 = tpu.memref_slice %arg4[%add3A_703, %dma_wait3A_709] : memref<204800x64xf32, #tpu.memory_space<hbm>> -> memref<128x64xf32, #tpu.memory_space<hbm>>
        %dma_wait3A_711 = arith.constant 0 : i32
        %dma_wait3A_712 = tpu.memref_slice %arg4[%add3A_703, %dma_wait3A_711] : memref<204800x64xf32, #tpu.memory_space<hbm>> -> memref<128x64xf32, #tpu.memory_space<hbm>>
        %dma_wait3A_713 = arith.constant 0 : i32
        %dma_wait3A_714 = arith.constant 0 : i32
        %dma_wait3A_715 = tpu.memref_slice %arg6[%dma_wait3A_704, %dma_wait3A_713, %dma_wait3A_714] : memref<10x128x64xf32, #tpu.memory_space<vmem>> -> memref<1x128x64xf32, #tpu.memory_space<vmem>>
        %dma_wait3A_716 = tpu.memref_squeeze %dma_wait3A_715 : memref<1x128x64xf32, #tpu.memory_space<vmem>> -> memref<128x64xf32, #tpu.memory_space<vmem>>
        tpu.wait_dma2 semaphore(%arg23 : memref<!tpu.dma_semaphore, #tpu.memory_space<semaphore_mem>>) src(%dma_wait3A_716 : memref<128x64xf32, #tpu.memory_space<vmem>>) dst(%dma_wait3A_712 : memref<128x64xf32, #tpu.memory_space<hbm>>)
        %mul3A_717 = arith.constant 128 : i32
        %mul3A_718 = arith.muli %sub3A_602, %mul3A_717 : i32
        %dma_start3A_719 = arith.constant 6 : i32
        %dma_start3A_720 = arith.constant 0 : i32
        %dma_start3A_721 = arith.constant 0 : i32
        %dma_start3A_722 = tpu.memref_slice %arg6[%dma_start3A_719, %dma_start3A_720, %dma_start3A_721] : memref<10x128x64xf32, #tpu.memory_space<vmem>> -> memref<1x128x64xf32, #tpu.memory_space<vmem>>
        %dma_start3A_723 = tpu.memref_squeeze %dma_start3A_722 : memref<1x128x64xf32, #tpu.memory_space<vmem>> -> memref<128x64xf32, #tpu.memory_space<vmem>>
        %dma_start3A_724 = tpu.memref_slice %arg5[%mul3A_718] : memref<6400xi32, #tpu.memory_space<vmem>> -> memref<128xi32, #tpu.memory_space<vmem>>
        %dma_start3A_725 = arith.constant 0 : i32
        %dma_start3A_726 = arith.constant 0 : i32
        %dma_start3A_727 = tpu.memref_slice %arg2[%dma_start3A_725, %dma_start3A_726] : memref<100000x64xf32, #tpu.memory_space<hbm>> -> memref<100000x64xf32, #tpu.memory_space<hbm>>
        tpu.enqueue_indirect_dma source(%dma_start3A_727 : memref<100000x64xf32, #tpu.memory_space<hbm>>) target(%dma_start3A_723 : memref<128x64xf32, #tpu.memory_space<vmem>>) offsets(%dma_start3A_724 : memref<128xi32, #tpu.memory_space<vmem>>) semaphore(%arg13 : memref<!tpu.dma_semaphore, #tpu.memory_space<semaphore_mem>>)
      } else {
      }
      %mul3A_611 = arith.constant 10 : i32
      %mul3A_612 = arith.muli %scan3A_256, %mul3A_611 : i32
      %add3A_613 = arith.constant 8 : i32
      %add3A_614 = arith.addi %mul3A_612, %add3A_613 : i32
      %mul3A_615 = arith.constant 128 : i32
      %mul3A_616 = arith.muli %add3A_614, %mul3A_615 : i32
      %dma_wait3A_617 = arith.constant 8 : i32
      %dma_wait3A_618 = arith.constant 0 : i32
      %dma_wait3A_619 = arith.constant 0 : i32
      %dma_wait3A_620 = tpu.memref_slice %arg6[%dma_wait3A_617, %dma_wait3A_618, %dma_wait3A_619] : memref<10x128x64xf32, #tpu.memory_space<vmem>> -> memref<1x128x64xf32, #tpu.memory_space<vmem>>
      %dma_wait3A_621 = tpu.memref_squeeze %dma_wait3A_620 : memref<1x128x64xf32, #tpu.memory_space<vmem>> -> memref<128x64xf32, #tpu.memory_space<vmem>>
      %dma_wait3A_622 = tpu.memref_slice %arg5[%mul3A_616] : memref<6400xi32, #tpu.memory_space<vmem>> -> memref<128xi32, #tpu.memory_space<vmem>>
      %dma_wait3A_623 = arith.constant 0 : i32
      %dma_wait3A_624 = arith.constant 0 : i32
      %dma_wait3A_625 = tpu.memref_slice %arg2[%dma_wait3A_623, %dma_wait3A_624] : memref<100000x64xf32, #tpu.memory_space<hbm>> -> memref<100000x64xf32, #tpu.memory_space<hbm>>
      tpu.wait_indirect_dma semaphore(%arg15 : memref<!tpu.dma_semaphore, #tpu.memory_space<semaphore_mem>>) src(%dma_wait3A_625 : memref<100000x64xf32, #tpu.memory_space<hbm>>) dst(%dma_wait3A_621 : memref<128x64xf32, #tpu.memory_space<vmem>>)
      %mul3A_626 = arith.constant 128 : i32
      %mul3A_627 = arith.muli %add3A_614, %mul3A_626 : i32
      %add3A_628 = arith.addi %mul3A_2, %mul3A_627 : i32
      %dma_start3A_629 = arith.constant 8 : i32
      %dma_start3A_630 = arith.constant 0 : i32
      %dma_start3A_631 = arith.constant 0 : i32
      %dma_start3A_632 = tpu.memref_slice %arg6[%dma_start3A_629, %dma_start3A_630, %dma_start3A_631] : memref<10x128x64xf32, #tpu.memory_space<vmem>> -> memref<1x128x64xf32, #tpu.memory_space<vmem>>
      %dma_start3A_633 = tpu.memref_squeeze %dma_start3A_632 : memref<1x128x64xf32, #tpu.memory_space<vmem>> -> memref<128x64xf32, #tpu.memory_space<vmem>>
      %dma_start3A_634 = arith.constant 0 : i32
      %dma_start3A_635 = tpu.memref_slice %arg4[%add3A_628, %dma_start3A_634] : memref<204800x64xf32, #tpu.memory_space<hbm>> -> memref<128x64xf32, #tpu.memory_space<hbm>>
      %dma_start3A_636 = arith.constant 0 : i32
      %dma_start3A_637 = tpu.memref_slice %arg4[%add3A_628, %dma_start3A_636] : memref<204800x64xf32, #tpu.memory_space<hbm>> -> memref<128x64xf32, #tpu.memory_space<hbm>>
      %dma_start3A_638 = arith.constant 0 : i32
      %dma_start3A_639 = arith.constant 0 : i32
      %dma_start3A_640 = tpu.memref_slice %arg6[%dma_start3A_629, %dma_start3A_638, %dma_start3A_639] : memref<10x128x64xf32, #tpu.memory_space<vmem>> -> memref<1x128x64xf32, #tpu.memory_space<vmem>>
      %dma_start3A_641 = tpu.memref_squeeze %dma_start3A_640 : memref<1x128x64xf32, #tpu.memory_space<vmem>> -> memref<128x64xf32, #tpu.memory_space<vmem>>
      tpu.enqueue_dma source(%dma_start3A_641 : memref<128x64xf32, #tpu.memory_space<vmem>>) target(%dma_start3A_637 : memref<128x64xf32, #tpu.memory_space<hbm>>) target_semaphore(%arg25 : memref<!tpu.dma_semaphore, #tpu.memory_space<semaphore_mem>>)
      %sub3A_642 = arith.constant 1 : i32
      %sub3A_643 = arith.subi %add3A_614, %sub3A_642 : i32
      %add3A_644 = arith.constant 10 : i32
      %add3A_645 = arith.addi %add3A_614, %add3A_644 : i32
      %sub3A_646 = arith.constant 1 : i32
      %sub3A_647 = arith.subi %add3A_645, %sub3A_646 : i32
      %ge3A_648 = arith.constant 0 : i32
      %ge3A_649 = arith.cmpi sge, %sub3A_643, %ge3A_648 : i32
      %lt3A_650 = arith.constant 50 : i32
      %lt3A_651 = arith.cmpi slt, %sub3A_647, %lt3A_650 : i32
      %and3A_652 = arith.andi %ge3A_649, %lt3A_651 : i1
      %convert_element_type3A_653 = arith.extui %and3A_652 : i1 to i32
      %cond3A_654 = arith.constant 0 : i32
      %cond3A_655 = arith.cmpi ne, %convert_element_type3A_653, %cond3A_654 : i32
      scf.if %cond3A_655 {
        %mul3A_701 = arith.constant 128 : i32
        %mul3A_702 = arith.muli %sub3A_643, %mul3A_701 : i32
        %add3A_703 = arith.addi %mul3A_2, %mul3A_702 : i32
        %dma_wait3A_704 = arith.constant 7 : i32
        %dma_wait3A_705 = arith.constant 0 : i32
        %dma_wait3A_706 = arith.constant 0 : i32
        %dma_wait3A_707 = tpu.memref_slice %arg6[%dma_wait3A_704, %dma_wait3A_705, %dma_wait3A_706] : memref<10x128x64xf32, #tpu.memory_space<vmem>> -> memref<1x128x64xf32, #tpu.memory_space<vmem>>
        %dma_wait3A_708 = tpu.memref_squeeze %dma_wait3A_707 : memref<1x128x64xf32, #tpu.memory_space<vmem>> -> memref<128x64xf32, #tpu.memory_space<vmem>>
        %dma_wait3A_709 = arith.constant 0 : i32
        %dma_wait3A_710 = tpu.memref_slice %arg4[%add3A_703, %dma_wait3A_709] : memref<204800x64xf32, #tpu.memory_space<hbm>> -> memref<128x64xf32, #tpu.memory_space<hbm>>
        %dma_wait3A_711 = arith.constant 0 : i32
        %dma_wait3A_712 = tpu.memref_slice %arg4[%add3A_703, %dma_wait3A_711] : memref<204800x64xf32, #tpu.memory_space<hbm>> -> memref<128x64xf32, #tpu.memory_space<hbm>>
        %dma_wait3A_713 = arith.constant 0 : i32
        %dma_wait3A_714 = arith.constant 0 : i32
        %dma_wait3A_715 = tpu.memref_slice %arg6[%dma_wait3A_704, %dma_wait3A_713, %dma_wait3A_714] : memref<10x128x64xf32, #tpu.memory_space<vmem>> -> memref<1x128x64xf32, #tpu.memory_space<vmem>>
        %dma_wait3A_716 = tpu.memref_squeeze %dma_wait3A_715 : memref<1x128x64xf32, #tpu.memory_space<vmem>> -> memref<128x64xf32, #tpu.memory_space<vmem>>
        tpu.wait_dma2 semaphore(%arg24 : memref<!tpu.dma_semaphore, #tpu.memory_space<semaphore_mem>>) src(%dma_wait3A_716 : memref<128x64xf32, #tpu.memory_space<vmem>>) dst(%dma_wait3A_712 : memref<128x64xf32, #tpu.memory_space<hbm>>)
        %mul3A_717 = arith.constant 128 : i32
        %mul3A_718 = arith.muli %sub3A_647, %mul3A_717 : i32
        %dma_start3A_719 = arith.constant 7 : i32
        %dma_start3A_720 = arith.constant 0 : i32
        %dma_start3A_721 = arith.constant 0 : i32
        %dma_start3A_722 = tpu.memref_slice %arg6[%dma_start3A_719, %dma_start3A_720, %dma_start3A_721] : memref<10x128x64xf32, #tpu.memory_space<vmem>> -> memref<1x128x64xf32, #tpu.memory_space<vmem>>
        %dma_start3A_723 = tpu.memref_squeeze %dma_start3A_722 : memref<1x128x64xf32, #tpu.memory_space<vmem>> -> memref<128x64xf32, #tpu.memory_space<vmem>>
        %dma_start3A_724 = tpu.memref_slice %arg5[%mul3A_718] : memref<6400xi32, #tpu.memory_space<vmem>> -> memref<128xi32, #tpu.memory_space<vmem>>
        %dma_start3A_725 = arith.constant 0 : i32
        %dma_start3A_726 = arith.constant 0 : i32
        %dma_start3A_727 = tpu.memref_slice %arg2[%dma_start3A_725, %dma_start3A_726] : memref<100000x64xf32, #tpu.memory_space<hbm>> -> memref<100000x64xf32, #tpu.memory_space<hbm>>
        tpu.enqueue_indirect_dma source(%dma_start3A_727 : memref<100000x64xf32, #tpu.memory_space<hbm>>) target(%dma_start3A_723 : memref<128x64xf32, #tpu.memory_space<vmem>>) offsets(%dma_start3A_724 : memref<128xi32, #tpu.memory_space<vmem>>) semaphore(%arg14 : memref<!tpu.dma_semaphore, #tpu.memory_space<semaphore_mem>>)
      } else {
      }
      %mul3A_656 = arith.constant 10 : i32
      %mul3A_657 = arith.muli %scan3A_256, %mul3A_656 : i32
      %add3A_658 = arith.constant 9 : i32
      %add3A_659 = arith.addi %mul3A_657, %add3A_658 : i32
      %mul3A_660 = arith.constant 128 : i32
      %mul3A_661 = arith.muli %add3A_659, %mul3A_660 : i32
      %dma_wait3A_662 = arith.constant 9 : i32
      %dma_wait3A_663 = arith.constant 0 : i32
      %dma_wait3A_664 = arith.constant 0 : i32
      %dma_wait3A_665 = tpu.memref_slice %arg6[%dma_wait3A_662, %dma_wait3A_663, %dma_wait3A_664] : memref<10x128x64xf32, #tpu.memory_space<vmem>> -> memref<1x128x64xf32, #tpu.memory_space<vmem>>
      %dma_wait3A_666 = tpu.memref_squeeze %dma_wait3A_665 : memref<1x128x64xf32, #tpu.memory_space<vmem>> -> memref<128x64xf32, #tpu.memory_space<vmem>>
      %dma_wait3A_667 = tpu.memref_slice %arg5[%mul3A_661] : memref<6400xi32, #tpu.memory_space<vmem>> -> memref<128xi32, #tpu.memory_space<vmem>>
      %dma_wait3A_668 = arith.constant 0 : i32
      %dma_wait3A_669 = arith.constant 0 : i32
      %dma_wait3A_670 = tpu.memref_slice %arg2[%dma_wait3A_668, %dma_wait3A_669] : memref<100000x64xf32, #tpu.memory_space<hbm>> -> memref<100000x64xf32, #tpu.memory_space<hbm>>
      tpu.wait_indirect_dma semaphore(%arg16 : memref<!tpu.dma_semaphore, #tpu.memory_space<semaphore_mem>>) src(%dma_wait3A_670 : memref<100000x64xf32, #tpu.memory_space<hbm>>) dst(%dma_wait3A_666 : memref<128x64xf32, #tpu.memory_space<vmem>>)
      %mul3A_671 = arith.constant 128 : i32
      %mul3A_672 = arith.muli %add3A_659, %mul3A_671 : i32
      %add3A_673 = arith.addi %mul3A_2, %mul3A_672 : i32
      %dma_start3A_674 = arith.constant 9 : i32
      %dma_start3A_675 = arith.constant 0 : i32
      %dma_start3A_676 = arith.constant 0 : i32
      %dma_start3A_677 = tpu.memref_slice %arg6[%dma_start3A_674, %dma_start3A_675, %dma_start3A_676] : memref<10x128x64xf32, #tpu.memory_space<vmem>> -> memref<1x128x64xf32, #tpu.memory_space<vmem>>
      %dma_start3A_678 = tpu.memref_squeeze %dma_start3A_677 : memref<1x128x64xf32, #tpu.memory_space<vmem>> -> memref<128x64xf32, #tpu.memory_space<vmem>>
      %dma_start3A_679 = arith.constant 0 : i32
      %dma_start3A_680 = tpu.memref_slice %arg4[%add3A_673, %dma_start3A_679] : memref<204800x64xf32, #tpu.memory_space<hbm>> -> memref<128x64xf32, #tpu.memory_space<hbm>>
      %dma_start3A_681 = arith.constant 0 : i32
      %dma_start3A_682 = tpu.memref_slice %arg4[%add3A_673, %dma_start3A_681] : memref<204800x64xf32, #tpu.memory_space<hbm>> -> memref<128x64xf32, #tpu.memory_space<hbm>>
      %dma_start3A_683 = arith.constant 0 : i32
      %dma_start3A_684 = arith.constant 0 : i32
      %dma_start3A_685 = tpu.memref_slice %arg6[%dma_start3A_674, %dma_start3A_683, %dma_start3A_684] : memref<10x128x64xf32, #tpu.memory_space<vmem>> -> memref<1x128x64xf32, #tpu.memory_space<vmem>>
      %dma_start3A_686 = tpu.memref_squeeze %dma_start3A_685 : memref<1x128x64xf32, #tpu.memory_space<vmem>> -> memref<128x64xf32, #tpu.memory_space<vmem>>
      tpu.enqueue_dma source(%dma_start3A_686 : memref<128x64xf32, #tpu.memory_space<vmem>>) target(%dma_start3A_682 : memref<128x64xf32, #tpu.memory_space<hbm>>) target_semaphore(%arg26 : memref<!tpu.dma_semaphore, #tpu.memory_space<semaphore_mem>>)
      %sub3A_687 = arith.constant 1 : i32
      %sub3A_688 = arith.subi %add3A_659, %sub3A_687 : i32
      %add3A_689 = arith.constant 10 : i32
      %add3A_690 = arith.addi %add3A_659, %add3A_689 : i32
      %sub3A_691 = arith.constant 1 : i32
      %sub3A_692 = arith.subi %add3A_690, %sub3A_691 : i32
      %ge3A_693 = arith.constant 0 : i32
      %ge3A_694 = arith.cmpi sge, %sub3A_688, %ge3A_693 : i32
      %lt3A_695 = arith.constant 50 : i32
      %lt3A_696 = arith.cmpi slt, %sub3A_692, %lt3A_695 : i32
      %and3A_697 = arith.andi %ge3A_694, %lt3A_696 : i1
      %convert_element_type3A_698 = arith.extui %and3A_697 : i1 to i32
      %cond3A_699 = arith.constant 0 : i32
      %cond3A_700 = arith.cmpi ne, %convert_element_type3A_698, %cond3A_699 : i32
      scf.if %cond3A_700 {
        %mul3A_701 = arith.constant 128 : i32
        %mul3A_702 = arith.muli %sub3A_688, %mul3A_701 : i32
        %add3A_703 = arith.addi %mul3A_2, %mul3A_702 : i32
        %dma_wait3A_704 = arith.constant 8 : i32
        %dma_wait3A_705 = arith.constant 0 : i32
        %dma_wait3A_706 = arith.constant 0 : i32
        %dma_wait3A_707 = tpu.memref_slice %arg6[%dma_wait3A_704, %dma_wait3A_705, %dma_wait3A_706] : memref<10x128x64xf32, #tpu.memory_space<vmem>> -> memref<1x128x64xf32, #tpu.memory_space<vmem>>
        %dma_wait3A_708 = tpu.memref_squeeze %dma_wait3A_707 : memref<1x128x64xf32, #tpu.memory_space<vmem>> -> memref<128x64xf32, #tpu.memory_space<vmem>>
        %dma_wait3A_709 = arith.constant 0 : i32
        %dma_wait3A_710 = tpu.memref_slice %arg4[%add3A_703, %dma_wait3A_709] : memref<204800x64xf32, #tpu.memory_space<hbm>> -> memref<128x64xf32, #tpu.memory_space<hbm>>
        %dma_wait3A_711 = arith.constant 0 : i32
        %dma_wait3A_712 = tpu.memref_slice %arg4[%add3A_703, %dma_wait3A_711] : memref<204800x64xf32, #tpu.memory_space<hbm>> -> memref<128x64xf32, #tpu.memory_space<hbm>>
        %dma_wait3A_713 = arith.constant 0 : i32
        %dma_wait3A_714 = arith.constant 0 : i32
        %dma_wait3A_715 = tpu.memref_slice %arg6[%dma_wait3A_704, %dma_wait3A_713, %dma_wait3A_714] : memref<10x128x64xf32, #tpu.memory_space<vmem>> -> memref<1x128x64xf32, #tpu.memory_space<vmem>>
        %dma_wait3A_716 = tpu.memref_squeeze %dma_wait3A_715 : memref<1x128x64xf32, #tpu.memory_space<vmem>> -> memref<128x64xf32, #tpu.memory_space<vmem>>
        tpu.wait_dma2 semaphore(%arg25 : memref<!tpu.dma_semaphore, #tpu.memory_space<semaphore_mem>>) src(%dma_wait3A_716 : memref<128x64xf32, #tpu.memory_space<vmem>>) dst(%dma_wait3A_712 : memref<128x64xf32, #tpu.memory_space<hbm>>)
        %mul3A_717 = arith.constant 128 : i32
        %mul3A_718 = arith.muli %sub3A_692, %mul3A_717 : i32
        %dma_start3A_719 = arith.constant 8 : i32
        %dma_start3A_720 = arith.constant 0 : i32
        %dma_start3A_721 = arith.constant 0 : i32
        %dma_start3A_722 = tpu.memref_slice %arg6[%dma_start3A_719, %dma_start3A_720, %dma_start3A_721] : memref<10x128x64xf32, #tpu.memory_space<vmem>> -> memref<1x128x64xf32, #tpu.memory_space<vmem>>
        %dma_start3A_723 = tpu.memref_squeeze %dma_start3A_722 : memref<1x128x64xf32, #tpu.memory_space<vmem>> -> memref<128x64xf32, #tpu.memory_space<vmem>>
        %dma_start3A_724 = tpu.memref_slice %arg5[%mul3A_718] : memref<6400xi32, #tpu.memory_space<vmem>> -> memref<128xi32, #tpu.memory_space<vmem>>
        %dma_start3A_725 = arith.constant 0 : i32
        %dma_start3A_726 = arith.constant 0 : i32
        %dma_start3A_727 = tpu.memref_slice %arg2[%dma_start3A_725, %dma_start3A_726] : memref<100000x64xf32, #tpu.memory_space<hbm>> -> memref<100000x64xf32, #tpu.memory_space<hbm>>
        tpu.enqueue_indirect_dma source(%dma_start3A_727 : memref<100000x64xf32, #tpu.memory_space<hbm>>) target(%dma_start3A_723 : memref<128x64xf32, #tpu.memory_space<vmem>>) offsets(%dma_start3A_724 : memref<128xi32, #tpu.memory_space<vmem>>) semaphore(%arg15 : memref<!tpu.dma_semaphore, #tpu.memory_space<semaphore_mem>>)
      } else {
      }
    }
    %scan3A_106 = arith.constant 5 : i32
    %add3A_107 = arith.constant 5120 : i32
    %add3A_108 = arith.addi %mul3A_2, %add3A_107 : i32
    %dma_wait3A = arith.constant 0 : i32
    %dma_wait3A_109 = arith.constant 0 : i32
    %dma_wait3A_110 = arith.constant 0 : i32
    %dma_wait3A_111 = tpu.memref_slice %arg6[%dma_wait3A, %dma_wait3A_109, %dma_wait3A_110] : memref<10x128x64xf32, #tpu.memory_space<vmem>> -> memref<1x128x64xf32, #tpu.memory_space<vmem>>
    %dma_wait3A_112 = tpu.memref_squeeze %dma_wait3A_111 : memref<1x128x64xf32, #tpu.memory_space<vmem>> -> memref<128x64xf32, #tpu.memory_space<vmem>>
    %dma_wait3A_113 = arith.constant 0 : i32
    %dma_wait3A_114 = tpu.memref_slice %arg4[%add3A_108, %dma_wait3A_113] : memref<204800x64xf32, #tpu.memory_space<hbm>> -> memref<128x64xf32, #tpu.memory_space<hbm>>
    %dma_wait3A_115 = arith.constant 0 : i32
    %dma_wait3A_116 = tpu.memref_slice %arg4[%add3A_108, %dma_wait3A_115] : memref<204800x64xf32, #tpu.memory_space<hbm>> -> memref<128x64xf32, #tpu.memory_space<hbm>>
    %dma_wait3A_117 = arith.constant 0 : i32
    %dma_wait3A_118 = arith.constant 0 : i32
    %dma_wait3A_119 = tpu.memref_slice %arg6[%dma_wait3A, %dma_wait3A_117, %dma_wait3A_118] : memref<10x128x64xf32, #tpu.memory_space<vmem>> -> memref<1x128x64xf32, #tpu.memory_space<vmem>>
    %dma_wait3A_120 = tpu.memref_squeeze %dma_wait3A_119 : memref<1x128x64xf32, #tpu.memory_space<vmem>> -> memref<128x64xf32, #tpu.memory_space<vmem>>
    tpu.wait_dma2 semaphore(%arg17 : memref<!tpu.dma_semaphore, #tpu.memory_space<semaphore_mem>>) src(%dma_wait3A_120 : memref<128x64xf32, #tpu.memory_space<vmem>>) dst(%dma_wait3A_116 : memref<128x64xf32, #tpu.memory_space<hbm>>)
    %add3A_121 = arith.constant 5248 : i32
    %add3A_122 = arith.addi %mul3A_2, %add3A_121 : i32
    %dma_wait3A_123 = arith.constant 1 : i32
    %dma_wait3A_124 = arith.constant 0 : i32
    %dma_wait3A_125 = arith.constant 0 : i32
    %dma_wait3A_126 = tpu.memref_slice %arg6[%dma_wait3A_123, %dma_wait3A_124, %dma_wait3A_125] : memref<10x128x64xf32, #tpu.memory_space<vmem>> -> memref<1x128x64xf32, #tpu.memory_space<vmem>>
    %dma_wait3A_127 = tpu.memref_squeeze %dma_wait3A_126 : memref<1x128x64xf32, #tpu.memory_space<vmem>> -> memref<128x64xf32, #tpu.memory_space<vmem>>
    %dma_wait3A_128 = arith.constant 0 : i32
    %dma_wait3A_129 = tpu.memref_slice %arg4[%add3A_122, %dma_wait3A_128] : memref<204800x64xf32, #tpu.memory_space<hbm>> -> memref<128x64xf32, #tpu.memory_space<hbm>>
    %dma_wait3A_130 = arith.constant 0 : i32
    %dma_wait3A_131 = tpu.memref_slice %arg4[%add3A_122, %dma_wait3A_130] : memref<204800x64xf32, #tpu.memory_space<hbm>> -> memref<128x64xf32, #tpu.memory_space<hbm>>
    %dma_wait3A_132 = arith.constant 0 : i32
    %dma_wait3A_133 = arith.constant 0 : i32
    %dma_wait3A_134 = tpu.memref_slice %arg6[%dma_wait3A_123, %dma_wait3A_132, %dma_wait3A_133] : memref<10x128x64xf32, #tpu.memory_space<vmem>> -> memref<1x128x64xf32, #tpu.memory_space<vmem>>
    %dma_wait3A_135 = tpu.memref_squeeze %dma_wait3A_134 : memref<1x128x64xf32, #tpu.memory_space<vmem>> -> memref<128x64xf32, #tpu.memory_space<vmem>>
    tpu.wait_dma2 semaphore(%arg18 : memref<!tpu.dma_semaphore, #tpu.memory_space<semaphore_mem>>) src(%dma_wait3A_135 : memref<128x64xf32, #tpu.memory_space<vmem>>) dst(%dma_wait3A_131 : memref<128x64xf32, #tpu.memory_space<hbm>>)
    %add3A_136 = arith.constant 5376 : i32
    %add3A_137 = arith.addi %mul3A_2, %add3A_136 : i32
    %dma_wait3A_138 = arith.constant 2 : i32
    %dma_wait3A_139 = arith.constant 0 : i32
    %dma_wait3A_140 = arith.constant 0 : i32
    %dma_wait3A_141 = tpu.memref_slice %arg6[%dma_wait3A_138, %dma_wait3A_139, %dma_wait3A_140] : memref<10x128x64xf32, #tpu.memory_space<vmem>> -> memref<1x128x64xf32, #tpu.memory_space<vmem>>
    %dma_wait3A_142 = tpu.memref_squeeze %dma_wait3A_141 : memref<1x128x64xf32, #tpu.memory_space<vmem>> -> memref<128x64xf32, #tpu.memory_space<vmem>>
    %dma_wait3A_143 = arith.constant 0 : i32
    %dma_wait3A_144 = tpu.memref_slice %arg4[%add3A_137, %dma_wait3A_143] : memref<204800x64xf32, #tpu.memory_space<hbm>> -> memref<128x64xf32, #tpu.memory_space<hbm>>
    %dma_wait3A_145 = arith.constant 0 : i32
    %dma_wait3A_146 = tpu.memref_slice %arg4[%add3A_137, %dma_wait3A_145] : memref<204800x64xf32, #tpu.memory_space<hbm>> -> memref<128x64xf32, #tpu.memory_space<hbm>>
    %dma_wait3A_147 = arith.constant 0 : i32
    %dma_wait3A_148 = arith.constant 0 : i32
    %dma_wait3A_149 = tpu.memref_slice %arg6[%dma_wait3A_138, %dma_wait3A_147, %dma_wait3A_148] : memref<10x128x64xf32, #tpu.memory_space<vmem>> -> memref<1x128x64xf32, #tpu.memory_space<vmem>>
    %dma_wait3A_150 = tpu.memref_squeeze %dma_wait3A_149 : memref<1x128x64xf32, #tpu.memory_space<vmem>> -> memref<128x64xf32, #tpu.memory_space<vmem>>
    tpu.wait_dma2 semaphore(%arg19 : memref<!tpu.dma_semaphore, #tpu.memory_space<semaphore_mem>>) src(%dma_wait3A_150 : memref<128x64xf32, #tpu.memory_space<vmem>>) dst(%dma_wait3A_146 : memref<128x64xf32, #tpu.memory_space<hbm>>)
    %add3A_151 = arith.constant 5504 : i32
    %add3A_152 = arith.addi %mul3A_2, %add3A_151 : i32
    %dma_wait3A_153 = arith.constant 3 : i32
    %dma_wait3A_154 = arith.constant 0 : i32
    %dma_wait3A_155 = arith.constant 0 : i32
    %dma_wait3A_156 = tpu.memref_slice %arg6[%dma_wait3A_153, %dma_wait3A_154, %dma_wait3A_155] : memref<10x128x64xf32, #tpu.memory_space<vmem>> -> memref<1x128x64xf32, #tpu.memory_space<vmem>>
    %dma_wait3A_157 = tpu.memref_squeeze %dma_wait3A_156 : memref<1x128x64xf32, #tpu.memory_space<vmem>> -> memref<128x64xf32, #tpu.memory_space<vmem>>
    %dma_wait3A_158 = arith.constant 0 : i32
    %dma_wait3A_159 = tpu.memref_slice %arg4[%add3A_152, %dma_wait3A_158] : memref<204800x64xf32, #tpu.memory_space<hbm>> -> memref<128x64xf32, #tpu.memory_space<hbm>>
    %dma_wait3A_160 = arith.constant 0 : i32
    %dma_wait3A_161 = tpu.memref_slice %arg4[%add3A_152, %dma_wait3A_160] : memref<204800x64xf32, #tpu.memory_space<hbm>> -> memref<128x64xf32, #tpu.memory_space<hbm>>
    %dma_wait3A_162 = arith.constant 0 : i32
    %dma_wait3A_163 = arith.constant 0 : i32
    %dma_wait3A_164 = tpu.memref_slice %arg6[%dma_wait3A_153, %dma_wait3A_162, %dma_wait3A_163] : memref<10x128x64xf32, #tpu.memory_space<vmem>> -> memref<1x128x64xf32, #tpu.memory_space<vmem>>
    %dma_wait3A_165 = tpu.memref_squeeze %dma_wait3A_164 : memref<1x128x64xf32, #tpu.memory_space<vmem>> -> memref<128x64xf32, #tpu.memory_space<vmem>>
    tpu.wait_dma2 semaphore(%arg20 : memref<!tpu.dma_semaphore, #tpu.memory_space<semaphore_mem>>) src(%dma_wait3A_165 : memref<128x64xf32, #tpu.memory_space<vmem>>) dst(%dma_wait3A_161 : memref<128x64xf32, #tpu.memory_space<hbm>>)
    %add3A_166 = arith.constant 5632 : i32
    %add3A_167 = arith.addi %mul3A_2, %add3A_166 : i32
    %dma_wait3A_168 = arith.constant 4 : i32
    %dma_wait3A_169 = arith.constant 0 : i32
    %dma_wait3A_170 = arith.constant 0 : i32
    %dma_wait3A_171 = tpu.memref_slice %arg6[%dma_wait3A_168, %dma_wait3A_169, %dma_wait3A_170] : memref<10x128x64xf32, #tpu.memory_space<vmem>> -> memref<1x128x64xf32, #tpu.memory_space<vmem>>
    %dma_wait3A_172 = tpu.memref_squeeze %dma_wait3A_171 : memref<1x128x64xf32, #tpu.memory_space<vmem>> -> memref<128x64xf32, #tpu.memory_space<vmem>>
    %dma_wait3A_173 = arith.constant 0 : i32
    %dma_wait3A_174 = tpu.memref_slice %arg4[%add3A_167, %dma_wait3A_173] : memref<204800x64xf32, #tpu.memory_space<hbm>> -> memref<128x64xf32, #tpu.memory_space<hbm>>
    %dma_wait3A_175 = arith.constant 0 : i32
    %dma_wait3A_176 = tpu.memref_slice %arg4[%add3A_167, %dma_wait3A_175] : memref<204800x64xf32, #tpu.memory_space<hbm>> -> memref<128x64xf32, #tpu.memory_space<hbm>>
    %dma_wait3A_177 = arith.constant 0 : i32
    %dma_wait3A_178 = arith.constant 0 : i32
    %dma_wait3A_179 = tpu.memref_slice %arg6[%dma_wait3A_168, %dma_wait3A_177, %dma_wait3A_178] : memref<10x128x64xf32, #tpu.memory_space<vmem>> -> memref<1x128x64xf32, #tpu.memory_space<vmem>>
    %dma_wait3A_180 = tpu.memref_squeeze %dma_wait3A_179 : memref<1x128x64xf32, #tpu.memory_space<vmem>> -> memref<128x64xf32, #tpu.memory_space<vmem>>
    tpu.wait_dma2 semaphore(%arg21 : memref<!tpu.dma_semaphore, #tpu.memory_space<semaphore_mem>>) src(%dma_wait3A_180 : memref<128x64xf32, #tpu.memory_space<vmem>>) dst(%dma_wait3A_176 : memref<128x64xf32, #tpu.memory_space<hbm>>)
    %add3A_181 = arith.constant 5760 : i32
    %add3A_182 = arith.addi %mul3A_2, %add3A_181 : i32
    %dma_wait3A_183 = arith.constant 5 : i32
    %dma_wait3A_184 = arith.constant 0 : i32
    %dma_wait3A_185 = arith.constant 0 : i32
    %dma_wait3A_186 = tpu.memref_slice %arg6[%dma_wait3A_183, %dma_wait3A_184, %dma_wait3A_185] : memref<10x128x64xf32, #tpu.memory_space<vmem>> -> memref<1x128x64xf32, #tpu.memory_space<vmem>>
    %dma_wait3A_187 = tpu.memref_squeeze %dma_wait3A_186 : memref<1x128x64xf32, #tpu.memory_space<vmem>> -> memref<128x64xf32, #tpu.memory_space<vmem>>
    %dma_wait3A_188 = arith.constant 0 : i32
    %dma_wait3A_189 = tpu.memref_slice %arg4[%add3A_182, %dma_wait3A_188] : memref<204800x64xf32, #tpu.memory_space<hbm>> -> memref<128x64xf32, #tpu.memory_space<hbm>>
    %dma_wait3A_190 = arith.constant 0 : i32
    %dma_wait3A_191 = tpu.memref_slice %arg4[%add3A_182, %dma_wait3A_190] : memref<204800x64xf32, #tpu.memory_space<hbm>> -> memref<128x64xf32, #tpu.memory_space<hbm>>
    %dma_wait3A_192 = arith.constant 0 : i32
    %dma_wait3A_193 = arith.constant 0 : i32
    %dma_wait3A_194 = tpu.memref_slice %arg6[%dma_wait3A_183, %dma_wait3A_192, %dma_wait3A_193] : memref<10x128x64xf32, #tpu.memory_space<vmem>> -> memref<1x128x64xf32, #tpu.memory_space<vmem>>
    %dma_wait3A_195 = tpu.memref_squeeze %dma_wait3A_194 : memref<1x128x64xf32, #tpu.memory_space<vmem>> -> memref<128x64xf32, #tpu.memory_space<vmem>>
    tpu.wait_dma2 semaphore(%arg22 : memref<!tpu.dma_semaphore, #tpu.memory_space<semaphore_mem>>) src(%dma_wait3A_195 : memref<128x64xf32, #tpu.memory_space<vmem>>) dst(%dma_wait3A_191 : memref<128x64xf32, #tpu.memory_space<hbm>>)
    %add3A_196 = arith.constant 5888 : i32
    %add3A_197 = arith.addi %mul3A_2, %add3A_196 : i32
    %dma_wait3A_198 = arith.constant 6 : i32
    %dma_wait3A_199 = arith.constant 0 : i32
    %dma_wait3A_200 = arith.constant 0 : i32
    %dma_wait3A_201 = tpu.memref_slice %arg6[%dma_wait3A_198, %dma_wait3A_199, %dma_wait3A_200] : memref<10x128x64xf32, #tpu.memory_space<vmem>> -> memref<1x128x64xf32, #tpu.memory_space<vmem>>
    %dma_wait3A_202 = tpu.memref_squeeze %dma_wait3A_201 : memref<1x128x64xf32, #tpu.memory_space<vmem>> -> memref<128x64xf32, #tpu.memory_space<vmem>>
    %dma_wait3A_203 = arith.constant 0 : i32
    %dma_wait3A_204 = tpu.memref_slice %arg4[%add3A_197, %dma_wait3A_203] : memref<204800x64xf32, #tpu.memory_space<hbm>> -> memref<128x64xf32, #tpu.memory_space<hbm>>
    %dma_wait3A_205 = arith.constant 0 : i32
    %dma_wait3A_206 = tpu.memref_slice %arg4[%add3A_197, %dma_wait3A_205] : memref<204800x64xf32, #tpu.memory_space<hbm>> -> memref<128x64xf32, #tpu.memory_space<hbm>>
    %dma_wait3A_207 = arith.constant 0 : i32
    %dma_wait3A_208 = arith.constant 0 : i32
    %dma_wait3A_209 = tpu.memref_slice %arg6[%dma_wait3A_198, %dma_wait3A_207, %dma_wait3A_208] : memref<10x128x64xf32, #tpu.memory_space<vmem>> -> memref<1x128x64xf32, #tpu.memory_space<vmem>>
    %dma_wait3A_210 = tpu.memref_squeeze %dma_wait3A_209 : memref<1x128x64xf32, #tpu.memory_space<vmem>> -> memref<128x64xf32, #tpu.memory_space<vmem>>
    tpu.wait_dma2 semaphore(%arg23 : memref<!tpu.dma_semaphore, #tpu.memory_space<semaphore_mem>>) src(%dma_wait3A_210 : memref<128x64xf32, #tpu.memory_space<vmem>>) dst(%dma_wait3A_206 : memref<128x64xf32, #tpu.memory_space<hbm>>)
    %add3A_211 = arith.constant 6016 : i32
    %add3A_212 = arith.addi %mul3A_2, %add3A_211 : i32
    %dma_wait3A_213 = arith.constant 7 : i32
    %dma_wait3A_214 = arith.constant 0 : i32
    %dma_wait3A_215 = arith.constant 0 : i32
    %dma_wait3A_216 = tpu.memref_slice %arg6[%dma_wait3A_213, %dma_wait3A_214, %dma_wait3A_215] : memref<10x128x64xf32, #tpu.memory_space<vmem>> -> memref<1x128x64xf32, #tpu.memory_space<vmem>>
    %dma_wait3A_217 = tpu.memref_squeeze %dma_wait3A_216 : memref<1x128x64xf32, #tpu.memory_space<vmem>> -> memref<128x64xf32, #tpu.memory_space<vmem>>
    %dma_wait3A_218 = arith.constant 0 : i32
    %dma_wait3A_219 = tpu.memref_slice %arg4[%add3A_212, %dma_wait3A_218] : memref<204800x64xf32, #tpu.memory_space<hbm>> -> memref<128x64xf32, #tpu.memory_space<hbm>>
    %dma_wait3A_220 = arith.constant 0 : i32
    %dma_wait3A_221 = tpu.memref_slice %arg4[%add3A_212, %dma_wait3A_220] : memref<204800x64xf32, #tpu.memory_space<hbm>> -> memref<128x64xf32, #tpu.memory_space<hbm>>
    %dma_wait3A_222 = arith.constant 0 : i32
    %dma_wait3A_223 = arith.constant 0 : i32
    %dma_wait3A_224 = tpu.memref_slice %arg6[%dma_wait3A_213, %dma_wait3A_222, %dma_wait3A_223] : memref<10x128x64xf32, #tpu.memory_space<vmem>> -> memref<1x128x64xf32, #tpu.memory_space<vmem>>
    %dma_wait3A_225 = tpu.memref_squeeze %dma_wait3A_224 : memref<1x128x64xf32, #tpu.memory_space<vmem>> -> memref<128x64xf32, #tpu.memory_space<vmem>>
    tpu.wait_dma2 semaphore(%arg24 : memref<!tpu.dma_semaphore, #tpu.memory_space<semaphore_mem>>) src(%dma_wait3A_225 : memref<128x64xf32, #tpu.memory_space<vmem>>) dst(%dma_wait3A_221 : memref<128x64xf32, #tpu.memory_space<hbm>>)
    %add3A_226 = arith.constant 6144 : i32
    %add3A_227 = arith.addi %mul3A_2, %add3A_226 : i32
    %dma_wait3A_228 = arith.constant 8 : i32
    %dma_wait3A_229 = arith.constant 0 : i32
    %dma_wait3A_230 = arith.constant 0 : i32
    %dma_wait3A_231 = tpu.memref_slice %arg6[%dma_wait3A_228, %dma_wait3A_229, %dma_wait3A_230] : memref<10x128x64xf32, #tpu.memory_space<vmem>> -> memref<1x128x64xf32, #tpu.memory_space<vmem>>
    %dma_wait3A_232 = tpu.memref_squeeze %dma_wait3A_231 : memref<1x128x64xf32, #tpu.memory_space<vmem>> -> memref<128x64xf32, #tpu.memory_space<vmem>>
    %dma_wait3A_233 = arith.constant 0 : i32
    %dma_wait3A_234 = tpu.memref_slice %arg4[%add3A_227, %dma_wait3A_233] : memref<204800x64xf32, #tpu.memory_space<hbm>> -> memref<128x64xf32, #tpu.memory_space<hbm>>
    %dma_wait3A_235 = arith.constant 0 : i32
    %dma_wait3A_236 = tpu.memref_slice %arg4[%add3A_227, %dma_wait3A_235] : memref<204800x64xf32, #tpu.memory_space<hbm>> -> memref<128x64xf32, #tpu.memory_space<hbm>>
    %dma_wait3A_237 = arith.constant 0 : i32
    %dma_wait3A_238 = arith.constant 0 : i32
    %dma_wait3A_239 = tpu.memref_slice %arg6[%dma_wait3A_228, %dma_wait3A_237, %dma_wait3A_238] : memref<10x128x64xf32, #tpu.memory_space<vmem>> -> memref<1x128x64xf32, #tpu.memory_space<vmem>>
    %dma_wait3A_240 = tpu.memref_squeeze %dma_wait3A_239 : memref<1x128x64xf32, #tpu.memory_space<vmem>> -> memref<128x64xf32, #tpu.memory_space<vmem>>
    tpu.wait_dma2 semaphore(%arg25 : memref<!tpu.dma_semaphore, #tpu.memory_space<semaphore_mem>>) src(%dma_wait3A_240 : memref<128x64xf32, #tpu.memory_space<vmem>>) dst(%dma_wait3A_236 : memref<128x64xf32, #tpu.memory_space<hbm>>)
    %add3A_241 = arith.constant 6272 : i32
    %add3A_242 = arith.addi %mul3A_2, %add3A_241 : i32
    %dma_wait3A_243 = arith.constant 9 : i32
    %dma_wait3A_244 = arith.constant 0 : i32
    %dma_wait3A_245 = arith.constant 0 : i32
    %dma_wait3A_246 = tpu.memref_slice %arg6[%dma_wait3A_243, %dma_wait3A_244, %dma_wait3A_245] : memref<10x128x64xf32, #tpu.memory_space<vmem>> -> memref<1x128x64xf32, #tpu.memory_space<vmem>>
    %dma_wait3A_247 = tpu.memref_squeeze %dma_wait3A_246 : memref<1x128x64xf32, #tpu.memory_space<vmem>> -> memref<128x64xf32, #tpu.memory_space<vmem>>
    %dma_wait3A_248 = arith.constant 0 : i32
    %dma_wait3A_249 = tpu.memref_slice %arg4[%add3A_242, %dma_wait3A_248] : memref<204800x64xf32, #tpu.memory_space<hbm>> -> memref<128x64xf32, #tpu.memory_space<hbm>>
    %dma_wait3A_250 = arith.constant 0 : i32
    %dma_wait3A_251 = tpu.memref_slice %arg4[%add3A_242, %dma_wait3A_250] : memref<204800x64xf32, #tpu.memory_space<hbm>> -> memref<128x64xf32, #tpu.memory_space<hbm>>
    %dma_wait3A_252 = arith.constant 0 : i32
    %dma_wait3A_253 = arith.constant 0 : i32
    %dma_wait3A_254 = tpu.memref_slice %arg6[%dma_wait3A_243, %dma_wait3A_252, %dma_wait3A_253] : memref<10x128x64xf32, #tpu.memory_space<vmem>> -> memref<1x128x64xf32, #tpu.memory_space<vmem>>
    %dma_wait3A_255 = tpu.memref_squeeze %dma_wait3A_254 : memref<1x128x64xf32, #tpu.memory_space<vmem>> -> memref<128x64xf32, #tpu.memory_space<vmem>>
    tpu.wait_dma2 semaphore(%arg26 : memref<!tpu.dma_semaphore, #tpu.memory_space<semaphore_mem>>) src(%dma_wait3A_255 : memref<128x64xf32, #tpu.memory_space<vmem>>) dst(%dma_wait3A_251 : memref<128x64xf32, #tpu.memory_space<hbm>>)
    return
  }
}

</mosaic_0001>

<sc_bundles>
// kernel: kernel.3.cloned.1.call-start
scs
__scs_entry_jumppad:
0x0: {  	(pc) =	sbr.rel $0x88, $3  }
0x1: {  	(tag) =	ssettag $0x0;
	lr =	simm.s32 $0x1  }
0x2: {  	[smem:$0x3F9F] =	sst lr;
	_ =	strace $0xD0000000  }
0x3: {  	_ = 	snop  }
0x4: {  	_ = 	snop  }
0x5: {  	_ = 	snop  }
0x6: {  	_ = 	snop  }
0x7: {  	_ = 	snop  }
__scs_overlays_trampoline_lowered:
0x8: {  	[smem:$0x3FAE] =	sst s0  }
0x9: {  	[smem:$0x3FAF] =	sst s1  }
0xa: {  	[smem:$0x3FB0] =	sst s2  }
0xb: {  	[smem:$0x3FB1] =	sst s3  }
0xc: {  	[smem:$0x3FB2] =	sst s4  }
0xd: {  	[smem:$0x3FB3] =	sst s5  }
0xe: {  	[smem:$0x3FB4] =	sst s6  }
0xf: {  	[smem:$0x3FB5] =	sst s7  }
0x10: {  	[smem:$0x3FB6] =	sst s8  }
0x11: {  	[smem:$0x3FB7] =	sst s9;
	s0 =	simm.s32 @!p0 $0x0  }
0x12: {  	s1 =	sld [smem:$0x3F9D];
	s0 =	simm.s32 @p0 $0x1  }
0x13: {  	[smem:$0x3FB8] =	sst s0;
	s0 =	simm.s32 @!p1 $0x0  }
0x14: {  	s2 =	sld [smem:$0x3F9C];
	s0 =	simm.s32 @p1 $0x1  }
0x15: {  	[smem:$0x3FB9] =	sst s0;
	s0 =	simm.s32 @!p2 $0x0  }
0x16: {  	s3 =	sld [smem:$0x3FDB];
	s0 =	simm.s32 @p2 $0x1  }
0x17: {  	s4 =	simm.s32 $0x1BF5;
	[smem:$0x3FBB] =	sst s0  }
0x18: {  	s0 =	sld [smem:$0x3F9E];
	_ =	swait.ge [sflag:s4], $0x0  }
0x19: {  	s7 =	sld [smem:$0x3F9F]  }
0x1a: {  	s8 =	sadd.s32 $0xFFFFE003, lr  }
0x1b: {  	s9 =	sadd.s32 $0xFFFFFEF7, lr;
	s5 =	simm.s32 $0xFFFFFFFF;
	p2 =	slt.u32 s8, $0xFFFFF086  }
0x1c: {  	p1 =	slt.u32 s9, $0xF7A;
	s5 =	simm.s32 @!p2 $0x0  }
0x1d: {  	s5 =	simm.s32 @p1 $0x1;
	p0 =	seq.s32 s7, s2  }
0x1e: {  	s7 =	smul.u32 @!p0 $0xF7A, s2;
	p2 =	seq.s32 @!p0 s5, $0x0  }
0x1f: {  	s9 =	smul.u32 $0xF7A, s1;
	s8 =	simm.s32 @!p0 $0x1BF5;
	p2 =	por !p2, p0  }
0x20: {  	[sflag:s8] =	ssyncset.s32 @!p0 $0xFFFFF086;
	s6 =	sadd.s32 @!p0 s3, s7;
	s7 =	simm.s32 @!p0 $0x108  }
0x21: {  	s3 =	sadd.s32 s3, s9;
	s6 =	sadd.s32 @!p0 $0x88, s6;
	s7 =	simm.s32 @p2 $0x1082  }
0x22: {  	[simem:s7], [sflag:s8] =	dma.local @!p0 [hbm:s6], $0xF7A  }
0x23: {  	s9 =	sor.u32 $0xD0000000, s2;
	s6 =	simm.s32 $0x108;
	_ =	swait.ge @!p0 [sflag:s8], $0x0  }
0x24: {  	s3 =	sadd.s32 $0x88, s3;
	s6 =	simm.s32 @!p1 $0x1082;
	[sflag:s4] =	ssyncset.s32 $0xFFFFF086  }
0x25: {  	[simem:s6], [sflag:s4] =	dma.local [hbm:s3], $0xF7A  }
0x26: {  	[smem:$0x3F9F] =	sst s1;
	(tag) =	ssettag s2;
	_ =	strace s9  }
0x27: {  	s1 =	sld [smem:$0x3FAF]  }
0x28: {  	s2 =	sld [smem:$0x3FB0]  }
0x29: {  	s4 =	sld [smem:$0x3FB2]  }
0x2a: {  	p0 =	seq.s32 s5, $0x0;
	s5 =	sld [smem:$0x3FB3]  }
0x2b: {  	s6 =	sld [smem:$0x3FB4]  }
0x2c: {  	s7 =	sld [smem:$0x3FB5]  }
0x2d: {  	s3 =	simm.s32 $0x108;
	s8 =	sld [smem:$0x3FB6]  }
0x2e: {  	s3 =	simm.s32 @!p0 $0x1082;
	s9 =	sld [smem:$0x3FB7]  }
0x2f: {  	lr =	sadd.s32 s0, s3;
	s0 =	sld [smem:$0x3FAE]  }
0x30: {  	s3 =	sld [smem:$0x3FB1]  }
0x31: {  	[smem:$0x3FBA] =	sst s10  }
0x32: {  	s10 =	sld [smem:$0x3FB8];
	_ =	sdelay $0x3  }
0x33: {  	p0 =	seq.s32 s10, $0x1;
	s10 =	sld [smem:$0x3FBA];
	_ =	sdelay $0x3  }
0x34: {  	[smem:$0x3FBA] =	sst s10  }
0x35: {  	s10 =	sld [smem:$0x3FB9];
	_ =	sdelay $0x3  }
0x36: {  	p1 =	seq.s32 s10, $0x1;
	s10 =	sld [smem:$0x3FBA];
	_ =	sdelay $0x3  }
0x37: {  	[smem:$0x3FBA] =	sst s10  }
0x38: {  	s10 =	sld [smem:$0x3FBB]  }
0x39: {  	_ = 	snop;
	(pc) =	sbr.ind lr, $3  }
0x3a: {  	_ = 	snop  }
0x3b: {  	_ = 	snop  }
0x3c: {  	p2 =	seq.s32 s10, $0x1;
	s10 =	sld [smem:$0x3FBA]  }
0x3d: {  	_ =	shalt  }
0x3e: {  	_ =	shalt  }
0x3f: {  	_ =	shalt  }
0x40: {  	_ =	shalt  }
0x41: {  	_ =	shalt  }
0x42: {  	_ =	shalt  }
0x43: {  	_ =	shalt  }
0x44: {  	_ =	shalt  }
0x45: {  	_ =	shalt  }
0x46: {  	_ =	shalt  }
0x47: {  	_ =	shalt  }
0x48: {  	_ =	shalt  }
0x49: {  	_ =	shalt  }
0x4a: {  	_ =	shalt  }
0x4b: {  	_ =	shalt  }
0x4c: {  	_ =	shalt  }
0x4d: {  	_ =	shalt  }
0x4e: {  	_ =	shalt  }
0x4f: {  	_ =	shalt  }
0x50: {  	_ =	shalt  }
0x51: {  	_ =	shalt  }
0x52: {  	_ =	shalt  }
0x53: {  	_ =	shalt  }
0x54: {  	_ =	shalt  }
0x55: {  	_ =	shalt  }
0x56: {  	_ =	shalt  }
0x57: {  	_ =	shalt  }
0x58: {  	_ =	shalt  }
0x59: {  	_ =	shalt  }
0x5a: {  	_ =	shalt  }
0x5b: {  	_ =	shalt  }
0x5c: {  	_ =	shalt  }
0x5d: {  	_ =	shalt  }
0x5e: {  	_ =	shalt  }
0x5f: {  	_ =	shalt  }
0x60: {  	_ =	shalt  }
0x61: {  	_ =	shalt  }
0x62: {  	_ =	shalt  }
0x63: {  	_ =	shalt  }
0x64: {  	_ =	shalt  }
0x65: {  	_ =	shalt  }
0x66: {  	_ =	shalt  }
0x67: {  	_ =	shalt  }
0x68: {  	_ =	shalt  }
0x69: {  	_ =	shalt  }
0x6a: {  	_ =	shalt  }
0x6b: {  	_ =	shalt  }
0x6c: {  	_ =	shalt  }
0x6d: {  	_ =	shalt  }
0x6e: {  	_ =	shalt  }
0x6f: {  	_ =	shalt  }
0x70: {  	_ =	shalt  }
0x71: {  	_ =	shalt  }
0x72: {  	_ =	shalt  }
0x73: {  	_ =	shalt  }
0x74: {  	_ =	shalt  }
0x75: {  	_ =	shalt  }
0x76: {  	_ =	shalt  }
0x77: {  	_ =	shalt  }
0x78: {  	_ =	shalt  }
0x79: {  	_ =	shalt  }
0x7a: {  	_ =	shalt  }
0x7b: {  	_ =	shalt  }
0x7c: {  	_ =	shalt  }
0x7d: {  	_ =	shalt  }
0x7e: {  	_ =	shalt  }
0x7f: {  	_ =	shalt  }
0x80: {  	_ =	shalt  }
0x81: {  	_ =	shalt  }
0x82: {  	_ =	shalt  }
0x83: {  	_ =	shalt  }
0x84: {  	_ =	shalt  }
0x85: {  	_ =	shalt  }
0x86: {  	_ =	shalt  }
0x87: {  	_ =	shalt  }
.Lfunc_end0:
.L_simem_size_0:
called_computation.1_lowered:
.L_overlay_start_0:
0x88: {  	s2 =	sld [smem:$0x3FD9]  }
0x89: {  	s3 =	sld [smem:$0x3FFE];
	_ =	sdelay $0x1  }
0x8a: {  	s1 =	srdreg.scid  }
0x8b: {  	s0 =	sand.u32 $0x1, s1  }
0x8c: {  	s17 =	sshll.u32 s0, $0xA;
	s2 =	sadd.s32 s3, s2  }
0x8d: {  	s2 =	sadd.s32 s2, s17  }
0x8e: {  	[smem:$0x3FC6] =	sst s2  }
0x8f: {  	_ = 	snop  }
0x90: {  	s2 =	sld [smem:$0x3FD0];
	(tm) =	ssettm $0x1  }
0x91: {  	s18 =	sld [smem:$0x3FFB];
	_ =	sdelay $0x3  }
0x92: {  	_ =	strace s18  }
0x93: {  	s3 =	sld [smem:$0x3FFC];
	_ =	sdelay $0x3  }
0x94: {  	_ =	strace s3  }
0x95: {  	s3 =	sld [smem:$0x3FFD];
	_ =	sdelay $0x3  }
0x96: {  	_ =	strace s3  }
0x97: {  	_ =	strace $0x8FFFFFFF  }
0x98: {  	s19 =	sld [smem:$0x3FDB];
	_ =	sdelay $0x1  }
0x99: {  	s4 =	simm.s32 $_scs_section_size  }
0x9a: {  	s5 =	simm.s32 $_size__tile_overlayer_lowered;
	s6 =	simm.s32 $_tile_overlayer_lowered  }
0x9b: {  	s22 =	simm.s32 $0x1BFF;
	s21 =	sshll.u32 s6, $0x1;
	s3 =	sadd.s32 s4, s19  }
0x9c: {  	s7 =	simm.s32 $0x0;
	s20 =	sshll.u32 s5, $0x1;
	s5 =	sadd.s32 s21, s3  }
0x9d: {  	[timem:s7], [sflag:s22] =	dma.local [hbm:s5], s20  }
0x9e: {  	_ =	swait.ge [sflag:s22], s20  }
0x9f: {  	s4 =	ssub.s32 $0x0, s20;
	[sflag:s22] =	ssyncset.done $0x0  }
0xa0: {  	[sflag:s22] =	ssyncadd.s32 s4;
	_ =	sdelay $0x1  }
0xa1: {  	s23 =	simm.s32 $0x1B8B  }
0xa2: {  	_ =	swait.ge [sflag:s23], $0x1  }
0xa3: {  	[sflag:s23] =	ssyncset.done $0x0  }
0xa4: {  	s25 =	simm.s32 $0x1B8E;
	s24 =	sld [smem:$0x3FFE];
	[sflag:s23] =	ssyncadd.s32 $0xFFFFFFFF  }
0xa5: {  	s26 =	simm.s32 $execute0_lowered;
	[smem:$0x3FD2] =	sst s25  }
0xa6: {  	s5 =	sshll.u32 s26, $0x1;
	_ =	strace $0x80000046;
	[dreg:$0x1] =	wrdreg $0xFFFFFFFF  }
0xa7: {  	s28 =	simm.s32 $_size_execute0_lowered;
	s3 =	sadd.s32 s3, s5;
	[dreg:$0x0] =	wrdreg $0x0  }
0xa8: {  	s5 =	sshll.u32 s28, $0x1;
	[dreg:$0x2] =	wrdreg s3  }
0xa9: {  	[dreg:$0x3] =	wrdreg s5  }
0xaa: {  	[dreg:$0x4] =	wrdreg $0xC0  }
0xab: {  	_ =	task [dreg:s7], $0x5FFFF  }
0xac: {  	[dreg:$0x1] =	wrdreg $0xFFFFFFFF  }
0xad: {  	[dreg:$0x0] =	wrdreg $0x60  }
0xae: {  	[dreg:$0x2] =	wrdreg s24  }
0xaf: {  	[dreg:$0x3] =	wrdreg s2  }
0xb0: {  	[dreg:$0x4] =	wrdreg $0x9  }
0xb1: {  	_ =	task.clear_ibuf [dreg:s7], $0x5FFFF;
	_ =	strace $0x90000046  }
0xb2: {  	s29 =	simm.s32 $0x9;
	_ =	strace $0x80000048  }
0xb3: {  	_ =	swait.ge [sflag:s29], $0x1  }
0xb4: {  	[sflag:s29] =	ssyncadd.s32 $0xFFFFFFFF  }
0xb5: {  	_ =	strace $0x90000048  }
0xb6: {  	_ =	sfence  }
0xb7: {  	s30 =	sld [smem:$0x0];
	_ =	sdelay $0x2  }
0xb8: {  	s31 =	sshll.u32 s1, $0xD;
	s1 =	sshrl.u32 s1, $0x2  }
0xb9: {  	s3 =	sand.u32 $0x4000, s31;
	s1 =	sadd.s32 s1, s30  }
0xba: {  	s0 =	sor.u32 s3, s0;
	s1 =	sshll.u32 s1, $0x11  }
0xbb: {  	s0 =	sor.u32 s1, s0  }
0xbc: {  	s0 =	sadd.s32 $0x8F2B, s0  }
0xbd: {  	[sflag:s0] =	ssyncadd.remote.s32 $0x1  }
0xbe: {  	_ =	sfence.sel $0xFFFF  }
0xbf: {  	[dreg:$0x0] =	wrdreg $0xFFFFFFFF;
	(pc) =	sbr.abs _section_cstart, $3  }
0xc0: {  	[dreg:$0x1] =	wrdreg $0xFFFFFFFF  }
0xc1: {  	_ =	task.clear_ibuf [dreg:s7], $0x2FFFF;
	_ =	strace $0x9FFFFFFF  }
0xc2: {  	(tm) =	ssettm $0x7FFFFFFF  }
0xc3: {  	_ =	shalt  }
tec
execute0_lowered:
.L_overlay_start_1:
0x0: {  	(tag) =	ssettag $0x1  }
0x1: {  	s0 =	rddreg [dreg:$0x0]  }
0x2: {  	s1 =	srdreg.scid;
	s7 =	stileid.u32  }
0x3: {  	s8 =	rddreg [dreg:$0x1];
	s9 =	smul.u32 $0xC8000, s7  }
0x4: {  	s3 =	simm.s32 $0x0;
	s1 =	sand.u32 $0x1, s1;
	s29 =	smul.u32 $0x19000, s7  }
0x5: {  	s30 =	simm.s32 $0x4;
	s2 =	sshll.u32 s7, $0x1;
	s18 =	smul.u32 $0x64000, s1  }
0x6: {  	s2 =	sor.u32 s1, s2;
	s6 =	ssub.s32 $0x2, s1;
	s1 =	smul.u32 $0xC800, s1  }
0x7: {  	[smem:$0x7FF] =	sst s3;
	s4 =	sadd.s32 $0x6C00, s0;
	s5 =	smul.u32 $0x1900, s2  }
0x8: {  	s7 =	simm.s32 $0x0;
	_ =	strace $0x80000047;
	s2 =	smul.u32 $0x64000, s2  }
0x9: {  	s17 =	sshrl.u32 s6, $0x1;
	s21 =	sadd.s32 s18, s9;
	s5 =	sshrl.u32 s5, $0x3  }
0xa: {  	s2 =	sshrl.u32 s2, $0x3;
	s22 =	sadd.s32 $0x10000, s21;
	s23 =	sadd.s32 $0xE000, s21  }
0xb: {  	s24 =	sadd.s32 $0xC000, s21;
	s25 =	sadd.s32 $0xA000, s21;
	s26 =	sadd.s32 $0x8000, s21  }
0xc: {  	s28 =	sadd.s32 $0x6000, s21;
	s31 =	sadd.s32 $0x4000, s21;
	s0 =	sadd.s32 s5, s0  }
0xd: {  	s5 =	ssub.s32 s6, s17;
	s20 =	sadd.s32 s8, s2;
	s11 =	sshrl.u32 s22, $0x3  }
0xe: {  	s12 =	sshrl.u32 s23, $0x3;
	s13 =	sshrl.u32 s24, $0x3;
	s14 =	sshrl.u32 s25, $0x3  }
0xf: {  	s15 =	sshrl.u32 s26, $0x3;
	s16 =	sshrl.u32 s28, $0x3;
	s6 =	sor.u32 $0x2000, s21  }
0x10: {  	s17 =	sshrl.u32 s31, $0x3;
	s25 =	simm.s32 $0x1;
	s26 =	simm.s32 $0x2  }
0x11: {  	s0 =	sadd.s32 $0x800, s0;
	s19 =	smax.u32 s5, $0x1;
	s2 =	sadd.s32 $0xA800, s20  }
.Ltmp0:
0x12: {  	s8 =	sadd.s32 $0xB000, s20;
	s9 =	sadd.s32 $0xB800, s20;
	(pc) =	sbr.rel .LBB2_1-.Ltmp0, $4  }
0x13: {  	s10 =	sadd.s32 $0xC000, s20;
	s18 =	sshrl.u32 s6, $0x3;
	[dreg:$0x3] =	wrdreg s0  }
0x14: {  	s5 =	simm.s32 $0x8;
	s6 =	simm.s32 $0xA;
	[dreg:$0x4] =	wrdreg s19  }
0x15: {  	[dreg:$0x5] =	wrdreg s2;
	s2 =	sadd.s32 $0x12000, s21;
	s19 =	sadd.s32 s1, s29  }
0x16: {  	s1 =	simm.s32 $0x6;
	s21 =	simm.s32 $0x13;
	s20 =	sshrl.u32 s2, $0x3  }
.LBB2_4:
0x17: {  	s0 =	simm.s32 $0xB  }
0x18: {  	_ =	swait.ge [sflag:s0], $0x2000  }
0x19: {  	[sflag:s0] =	ssyncset.done $0x0  }
0x1a: {  	s2 =	simm.s32 $0xC;
	[sflag:s0] =	ssyncadd.s32 $0xFFFFE000  }
0x1b: {  	_ =	swait.ge [sflag:s2], $0x2000  }
0x1c: {  	[sflag:s2] =	ssyncset.done $0x0  }
0x1d: {  	s7 =	simm.s32 $0xD;
	[sflag:s2] =	ssyncadd.s32 $0xFFFFE000  }
0x1e: {  	_ =	swait.ge [sflag:s7], $0x2000  }
0x1f: {  	[sflag:s7] =	ssyncset.done $0x0  }
0x20: {  	s22 =	simm.s32 $0xE;
	[sflag:s7] =	ssyncadd.s32 $0xFFFFE000  }
0x21: {  	_ =	swait.ge [sflag:s22], $0x2000  }
0x22: {  	[sflag:s22] =	ssyncset.done $0x0  }
0x23: {  	s23 =	simm.s32 $0xF;
	[sflag:s22] =	ssyncadd.s32 $0xFFFFE000  }
0x24: {  	_ =	swait.ge [sflag:s23], $0x2000  }
0x25: {  	[sflag:s23] =	ssyncset.done $0x0  }
0x26: {  	s24 =	simm.s32 $0x10;
	[sflag:s23] =	ssyncadd.s32 $0xFFFFE000  }
0x27: {  	_ =	swait.ge [sflag:s24], $0x2000  }
0x28: {  	[sflag:s24] =	ssyncset.done $0x0  }
0x29: {  	s28 =	simm.s32 $0x11;
	[sflag:s24] =	ssyncadd.s32 $0xFFFFE000  }
0x2a: {  	_ =	swait.ge [sflag:s28], $0x2000  }
0x2b: {  	[sflag:s28] =	ssyncset.done $0x0  }
0x2c: {  	s29 =	simm.s32 $0x12;
	[sflag:s28] =	ssyncadd.s32 $0xFFFFE000  }
0x2d: {  	_ =	swait.ge [sflag:s29], $0x2000  }
0x2e: {  	[sflag:s29] =	ssyncset.done $0x0  }
0x2f: {  	[sflag:s29] =	ssyncadd.s32 $0xFFFFE000  }
0x30: {  	_ =	swait.ge [sflag:s21], $0x2000  }
0x31: {  	[sflag:s21] =	ssyncset.done $0x0  }
0x32: {  	s2 =	simm.s32 $0x14;
	[sflag:s21] =	ssyncadd.s32 $0xFFFFE000  }
0x33: {  	_ =	swait.ge [sflag:s2], $0x2000  }
0x34: {  	s7 =	rddreg [dreg:$0x6]  }
0x35: {  	s31 =	rddreg [dreg:$0x4];
	s7 =	sadd.s32 $0x1, s7  }
0x36: {  	p0 =	sne.s32 s7, s31  }
.Ltmp1:
0x37: {  	_ = 	snop;
	(pc) =	sbr.rel @!p0 .LBB2_5-.Ltmp1, $3  }
0x38: {  	_ =	sdelay $0x1  }
0x39: {  	[sflag:s2] =	ssyncset.done $0x0  }
0x3a: {  	[sflag:s2] =	ssyncadd.s32 $0xFFFFE000  }
.LBB2_1:
0x3b: {  	[dreg:$0x6] =	wrdreg s7  }
0x3c: {  	s0 =	rddreg [dreg:$0x3];
	s22 =	simm.s32 $0x15  }
0x3d: {  	[tilespmem:s3], [sflag:$0x15] =	stream.linear.gather [hbm4b:s0+s3], $0x1900, $0x38;
	[tilespmem:$0x15900] =	vst v63  }
0x3e: {  	_ =	swait.ge [sflag:s22], $0x1900  }
0x3f: {  	[sflag:s22] =	ssyncset.done $0x0  }
0x40: {  	s2 =	simm.s32 $0x1900;
	s0 =	simm.s32 $0x80;
	[sflag:s22] =	ssyncadd.s32 $0xFFFFE700  }
0x41: {  	[tilespmem:s2], [sflag:$0x1] =	stream.indirect.gather [hbm4b:s4+s0], $0x40, s3, s0, $0xb8;
	[tilespmem:$0x15900] =	vst v63  }
0x42: {  	s23 =	simm.s32 $0x3900  }
0x43: {  	[tilespmem:s23], [sflag:$0x2] =	stream.indirect.gather [hbm4b:s4+s0], $0x40, s0, s0, $0xb8;
	[tilespmem:$0x15900] =	vst v63  }
0x44: {  	s24 =	simm.s32 $0x100;
	s28 =	simm.s32 $0x5900  }
0x45: {  	[tilespmem:s28], [sflag:$0x3] =	stream.indirect.gather [hbm4b:s4+s0], $0x40, s24, s0, $0xb8;
	[tilespmem:$0x15900] =	vst v63  }
0x46: {  	s29 =	simm.s32 $0x180;
	s31 =	simm.s32 $0x7900  }
0x47: {  	[tilespmem:s31], [sflag:$0x4] =	stream.indirect.gather [hbm4b:s4+s0], $0x40, s29, s0, $0xb8;
	[tilespmem:$0x15900] =	vst v63  }
0x48: {  	s22 =	simm.s32 $0x200;
	s23 =	simm.s32 $0x9900  }
0x49: {  	[tilespmem:s23], [sflag:$0x5] =	stream.indirect.gather [hbm4b:s4+s0], $0x40, s22, s0, $0xb8;
	[tilespmem:$0x15900] =	vst v63  }
0x4a: {  	s24 =	simm.s32 $0x280;
	s28 =	simm.s32 $0xB900  }
0x4b: {  	[tilespmem:s28], [sflag:$0x6] =	stream.indirect.gather [hbm4b:s4+s0], $0x40, s24, s0, $0xb8;
	[tilespmem:$0x15900] =	vst v63  }
0x4c: {  	s29 =	simm.s32 $0x300;
	s31 =	simm.s32 $0xD900  }
0x4d: {  	[tilespmem:s31], [sflag:$0x7] =	stream.indirect.gather [hbm4b:s4+s0], $0x40, s29, s0, $0xb8;
	[tilespmem:$0x15900] =	vst v63  }
0x4e: {  	s22 =	simm.s32 $0x380;
	s23 =	simm.s32 $0xF900  }
0x4f: {  	[tilespmem:s23], [sflag:$0x8] =	stream.indirect.gather [hbm4b:s4+s0], $0x40, s22, s0, $0xb8;
	[tilespmem:$0x15900] =	vst v63  }
0x50: {  	s24 =	simm.s32 $0x400;
	s28 =	simm.s32 $0x11900;
	s29 =	simm.s32 $0x480  }
0x51: {  	[tilespmem:s28], [sflag:$0x9] =	stream.indirect.gather [hbm4b:s4+s0], $0x40, s24, s0, $0xb8;
	[tilespmem:$0x15900] =	vst v63  }
0x52: {  	s31 =	simm.s32 $0x13900;
	s23 =	rddreg [dreg:$0x1];
	s24 =	simm.s32 $0x0  }
0x53: {  	[tilespmem:s31], [sflag:$0xA] =	stream.indirect.gather [hbm4b:s4+s0], $0x40, s29, s0, $0xb8;
	[tilespmem:$0x15900] =	vst v63  }
.LBB2_2:
0x54: {  	_ =	swait.ge [sflag:s25], $0x2000  }
0x55: {  	s0 =	sadd.s32 s23, s19;
	[sflag:s25] =	ssyncset.done $0x0  }
0x56: {  	s2 =	simm.s32 $0x1900;
	p0 =	seq.s32 s24, $0x0;
	[sflag:s25] =	ssyncadd.s32 $0xFFFFE000  }
0x57: {  	[hbm4b:s0+s3] =	stream.linear.scatter [tilespmem:s2], [sflag:$0xB], $0x2000, $0x38;
	[tilespmem:$0x15900] =	vst v63  }
0x58: {  	s0 =	simm.s32 @!p0 $0x14  }
0x59: {  	_ =	swait.ge @!p0 [sflag:s0], $0x2000  }
0x5a: {  	[sflag:s0] =	ssyncset.done @!p0 $0x0  }
0x5b: {  	[sflag:s0] =	ssyncadd.s32 @!p0 $0xFFFFE000;
	s0 =	sshra.s32 @!p0 s24, $0x2  }
0x5c: {  	s28 =	simm.s32 @!p0 $0x80;
	s29 =	simm.s32 @!p0 $0x13900;
	s0 =	sadd.s32 @!p0 $0x480, s0  }
0x5d: {  	[tilespmem:s29], [sflag:$0xA] =	stream.indirect.gather @!p0 [hbm4b:s4+s28], $0x40, s0, s28, $0xb8;
	[tilespmem:$0x15900] =	vst v63  }
0x5e: {  	_ =	swait.ge [sflag:s26], $0x2000  }
0x5f: {  	s22 =	sadd.s32 s23, s18;
	p0 =	seq.s32 s24, $0x5000;
	[sflag:s26] =	ssyncset.done $0x0  }
0x60: {  	s28 =	simm.s32 $0x3900;
	s0 =	simm.s32 @p0 $0x3;
	[sflag:s26] =	ssyncadd.s32 $0xFFFFE000  }
0x61: {  	[hbm4b:s22+s3] =	stream.linear.scatter [tilespmem:s28], [sflag:$0xC], $0x2000, $0x38;
	[tilespmem:$0x15900] =	vst v63  }
0x62: {  	_ =	swait.ge @p0 [sflag:s0], $0x2000  }
0x63: {  	s28 =	simm.s32 @p0 $0x5900;
	[sflag:s0] =	ssyncset.done @p0 $0x0  }
0x64: {  	s2 =	rddreg [dreg:$0x5];
	[sflag:s0] =	ssyncadd.s32 @p0 $0xFFFFE000;
	s0 =	simm.s32 @p0 $0x0  }
0x65: {  	[hbm4b:s2+s0] =	stream.linear.scatter @p0 [tilespmem:s28], [sflag:$0xD], $0x2000, $0x38;
	[tilespmem:$0x15900] =	vst v63  }
0x66: {  	s28 =	simm.s32 @!p0 $0xB  }
0x67: {  	_ =	swait.ge @!p0 [sflag:s28], $0x2000  }
0x68: {  	s29 =	sshra.s32 @!p0 s24, $0x2;
	s31 =	simm.s32 @!p0 $0x80;
	[sflag:s28] =	ssyncset.done @!p0 $0x0  }
0x69: {  	s2 =	simm.s32 @!p0 $0x1900;
	[sflag:s28] =	ssyncadd.s32 @!p0 $0xFFFFE000;
	s28 =	sadd.s32 @!p0 $0x500, s29  }
0x6a: {  	[tilespmem:s2], [sflag:$0x1] =	stream.indirect.gather @!p0 [hbm4b:s4+s31], $0x40, s28, s31, $0xb8;
	[tilespmem:$0x15900] =	vst v63  }
0x6b: {  	s2 =	simm.s32 @!p0 $0x3  }
0x6c: {  	_ =	swait.ge @!p0 [sflag:s2], $0x2000  }
0x6d: {  	s22 =	simm.s32 @!p0 $0x5900;
	[sflag:s2] =	ssyncset.done @!p0 $0x0  }
0x6e: {  	s28 =	simm.s32 @!p0 $0x0;
	[sflag:s2] =	ssyncadd.s32 @!p0 $0xFFFFE000;
	s2 =	sadd.s32 @!p0 s23, s17  }
0x6f: {  	[hbm4b:s2+s28] =	stream.linear.scatter @!p0 [tilespmem:s22], [sflag:$0xD], $0x2000, $0x38;
	[tilespmem:$0x15900] =	vst v63  }
0x70: {  	s2 =	simm.s32 @!p0 $0xC  }
0x71: {  	_ =	swait.ge @!p0 [sflag:s2], $0x2000  }
0x72: {  	[sflag:s2] =	ssyncset.done @!p0 $0x0  }
0x73: {  	s7 =	simm.s32 @!p0 $0x3900;
	[sflag:s2] =	ssyncadd.s32 @!p0 $0xFFFFE000;
	s2 =	sadd.s32 @!p0 $0x580, s29  }
0x74: {  	[tilespmem:s7], [sflag:$0x2] =	stream.indirect.gather @!p0 [hbm4b:s4+s31], $0x40, s2, s31, $0xb8;
	[tilespmem:$0x15900] =	vst v63  }
0x75: {  	_ =	swait.ge [sflag:s30], $0x2000  }
0x76: {  	[sflag:s30] =	ssyncset.done $0x0  }
0x77: {  	s2 =	sadd.s32 s23, s16;
	s7 =	simm.s32 $0x7900;
	[sflag:s30] =	ssyncadd.s32 $0xFFFFE000  }
0x78: {  	[hbm4b:s2+s3] =	stream.linear.scatter [tilespmem:s7], [sflag:$0xE], $0x2000, $0x38;
	[tilespmem:$0x15900] =	vst v63  }
0x79: {  	s2 =	simm.s32 @p0 $0x5  }
0x7a: {  	_ =	swait.ge @p0 [sflag:s2], $0x2000  }
0x7b: {  	[sflag:s2] =	ssyncset.done @p0 $0x0  }
0x7c: {  	[sflag:s2] =	ssyncadd.s32 @p0 $0xFFFFE000;
	s2 =	simm.s32 @p0 $0x9900  }
0x7d: {  	[hbm4b:s8+s0] =	stream.linear.scatter @p0 [tilespmem:s2], [sflag:$0xF], $0x2000, $0x38;
	[tilespmem:$0x15900] =	vst v63  }
0x7e: {  	s2 =	simm.s32 @!p0 $0xD  }
0x7f: {  	_ =	swait.ge @!p0 [sflag:s2], $0x2000  }
0x80: {  	[sflag:s2] =	ssyncset.done @!p0 $0x0  }
0x81: {  	[sflag:s2] =	ssyncadd.s32 @!p0 $0xFFFFE000;
	s2 =	sadd.s32 @!p0 $0x600, s29  }
0x82: {  	[tilespmem:s22], [sflag:$0x3] =	stream.indirect.gather @!p0 [hbm4b:s4+s31], $0x40, s2, s31, $0xb8;
	[tilespmem:$0x15900] =	vst v63  }
0x83: {  	s2 =	simm.s32 @!p0 $0x5  }
0x84: {  	_ =	swait.ge @!p0 [sflag:s2], $0x2000  }
0x85: {  	[sflag:s2] =	ssyncset.done @!p0 $0x0  }
0x86: {  	s7 =	simm.s32 @!p0 $0x9900;
	[sflag:s2] =	ssyncadd.s32 @!p0 $0xFFFFE000;
	s2 =	sadd.s32 @!p0 s23, s15  }
0x87: {  	[hbm4b:s2+s28] =	stream.linear.scatter @!p0 [tilespmem:s7], [sflag:$0xF], $0x2000, $0x38;
	[tilespmem:$0x15900] =	vst v63  }
0x88: {  	s2 =	simm.s32 @!p0 $0xE  }
0x89: {  	_ =	swait.ge @!p0 [sflag:s2], $0x2000  }
0x8a: {  	[sflag:s2] =	ssyncset.done @!p0 $0x0  }
0x8b: {  	s22 =	simm.s32 @!p0 $0x7900;
	[sflag:s2] =	ssyncadd.s32 @!p0 $0xFFFFE000;
	s2 =	sadd.s32 @!p0 $0x680, s29  }
0x8c: {  	[tilespmem:s22], [sflag:$0x4] =	stream.indirect.gather @!p0 [hbm4b:s4+s31], $0x40, s2, s31, $0xb8;
	[tilespmem:$0x15900] =	vst v63  }
0x8d: {  	_ =	swait.ge [sflag:s1], $0x2000  }
0x8e: {  	[sflag:s1] =	ssyncset.done $0x0  }
0x8f: {  	s2 =	sadd.s32 s23, s14;
	s22 =	simm.s32 $0xB900;
	[sflag:s1] =	ssyncadd.s32 $0xFFFFE000  }
0x90: {  	[hbm4b:s2+s3] =	stream.linear.scatter [tilespmem:s22], [sflag:$0x10], $0x2000, $0x38;
	[tilespmem:$0x15900] =	vst v63  }
0x91: {  	s2 =	simm.s32 @p0 $0x7  }
0x92: {  	_ =	swait.ge @p0 [sflag:s2], $0x2000  }
0x93: {  	[sflag:s2] =	ssyncset.done @p0 $0x0  }
0x94: {  	[sflag:s2] =	ssyncadd.s32 @p0 $0xFFFFE000;
	s2 =	simm.s32 @p0 $0xD900  }
0x95: {  	[hbm4b:s9+s0] =	stream.linear.scatter @p0 [tilespmem:s2], [sflag:$0x11], $0x2000, $0x38;
	[tilespmem:$0x15900] =	vst v63  }
0x96: {  	s2 =	simm.s32 @!p0 $0xF  }
0x97: {  	_ =	swait.ge @!p0 [sflag:s2], $0x2000  }
0x98: {  	[sflag:s2] =	ssyncset.done @!p0 $0x0  }
0x99: {  	[sflag:s2] =	ssyncadd.s32 @!p0 $0xFFFFE000;
	s2 =	sadd.s32 @!p0 $0x700, s29  }
0x9a: {  	[tilespmem:s7], [sflag:$0x5] =	stream.indirect.gather @!p0 [hbm4b:s4+s31], $0x40, s2, s31, $0xb8;
	[tilespmem:$0x15900] =	vst v63  }
0x9b: {  	s2 =	simm.s32 @!p0 $0x7  }
0x9c: {  	_ =	swait.ge @!p0 [sflag:s2], $0x2000  }
0x9d: {  	[sflag:s2] =	ssyncset.done @!p0 $0x0  }
0x9e: {  	s7 =	simm.s32 @!p0 $0xD900;
	[sflag:s2] =	ssyncadd.s32 @!p0 $0xFFFFE000;
	s2 =	sadd.s32 @!p0 s23, s13  }
0x9f: {  	[hbm4b:s2+s28] =	stream.linear.scatter @!p0 [tilespmem:s7], [sflag:$0x11], $0x2000, $0x38;
	[tilespmem:$0x15900] =	vst v63  }
0xa0: {  	s2 =	simm.s32 @!p0 $0x10  }
0xa1: {  	_ =	swait.ge @!p0 [sflag:s2], $0x2000  }
0xa2: {  	[sflag:s2] =	ssyncset.done @!p0 $0x0  }
0xa3: {  	s22 =	simm.s32 @!p0 $0xB900;
	[sflag:s2] =	ssyncadd.s32 @!p0 $0xFFFFE000;
	s2 =	sadd.s32 @!p0 $0x780, s29  }
0xa4: {  	[tilespmem:s22], [sflag:$0x6] =	stream.indirect.gather @!p0 [hbm4b:s4+s31], $0x40, s2, s31, $0xb8;
	[tilespmem:$0x15900] =	vst v63  }
0xa5: {  	_ =	swait.ge [sflag:s5], $0x2000  }
0xa6: {  	[sflag:s5] =	ssyncset.done $0x0  }
0xa7: {  	s2 =	sadd.s32 s23, s12;
	s22 =	simm.s32 $0xF900;
	[sflag:s5] =	ssyncadd.s32 $0xFFFFE000  }
0xa8: {  	[hbm4b:s2+s3] =	stream.linear.scatter [tilespmem:s22], [sflag:$0x12], $0x2000, $0x38;
	[tilespmem:$0x15900] =	vst v63  }
0xa9: {  	s2 =	simm.s32 @p0 $0x9  }
0xaa: {  	_ =	swait.ge @p0 [sflag:s2], $0x2000  }
0xab: {  	[sflag:s2] =	ssyncset.done @p0 $0x0  }
0xac: {  	[sflag:s2] =	ssyncadd.s32 @p0 $0xFFFFE000;
	s2 =	simm.s32 @p0 $0x11900  }
0xad: {  	[hbm4b:s10+s0] =	stream.linear.scatter @p0 [tilespmem:s2], [sflag:$0x13], $0x2000, $0x38;
	[tilespmem:$0x15900] =	vst v63  }
0xae: {  	s0 =	simm.s32 @!p0 $0x11  }
0xaf: {  	_ =	swait.ge @!p0 [sflag:s0], $0x2000  }
0xb0: {  	[sflag:s0] =	ssyncset.done @!p0 $0x0  }
0xb1: {  	[sflag:s0] =	ssyncadd.s32 @!p0 $0xFFFFE000;
	s0 =	sadd.s32 @!p0 $0x800, s29  }
0xb2: {  	[tilespmem:s7], [sflag:$0x7] =	stream.indirect.gather @!p0 [hbm4b:s4+s31], $0x40, s0, s31, $0xb8;
	[tilespmem:$0x15900] =	vst v63  }
0xb3: {  	s0 =	simm.s32 @!p0 $0x9  }
0xb4: {  	_ =	swait.ge @!p0 [sflag:s0], $0x2000  }
0xb5: {  	[sflag:s0] =	ssyncset.done @!p0 $0x0  }
0xb6: {  	s2 =	simm.s32 @!p0 $0x11900;
	[sflag:s0] =	ssyncadd.s32 @!p0 $0xFFFFE000;
	s0 =	sadd.s32 @!p0 s23, s11  }
0xb7: {  	[hbm4b:s0+s28] =	stream.linear.scatter @!p0 [tilespmem:s2], [sflag:$0x13], $0x2000, $0x38;
	[tilespmem:$0x15900] =	vst v63  }
0xb8: {  	s0 =	simm.s32 @!p0 $0x12  }
0xb9: {  	_ =	swait.ge @!p0 [sflag:s0], $0x2000  }
0xba: {  	[sflag:s0] =	ssyncset.done @!p0 $0x0  }
0xbb: {  	s2 =	simm.s32 @!p0 $0xF900;
	[sflag:s0] =	ssyncadd.s32 @!p0 $0xFFFFE000;
	s0 =	sadd.s32 @!p0 $0x880, s29  }
0xbc: {  	[tilespmem:s2], [sflag:$0x8] =	stream.indirect.gather @!p0 [hbm4b:s4+s31], $0x40, s0, s31, $0xb8;
	[tilespmem:$0x15900] =	vst v63  }
.Ltmp2:
0xbd: {  	_ = 	snop;
	(pc) =	sbr.rel @p0 .LBB2_4-.Ltmp2, $4  }
0xbe: {  	_ =	swait.ge [sflag:s6], $0x2000  }
0xbf: {  	[sflag:s6] =	ssyncset.done $0x0  }
0xc0: {  	s29 =	sadd.s32 s23, s20;
	s31 =	simm.s32 $0x13900;
	[sflag:s6] =	ssyncadd.s32 $0xFFFFE000  }
0xc1: {  	[hbm4b:s29+s3] =	stream.linear.scatter [tilespmem:s31], [sflag:$0x14], $0x2000, $0x38;
	[tilespmem:$0x15900] =	vst v63  }
.Ltmp3:
0xc2: {  	(pc) =	sbr.rel .LBB2_2-.Ltmp3, $4  }
0xc3: {  	_ =	swait.ge [sflag:s21], $0x2000;
	s0 =	sshra.s32 s24, $0x2;
	s2 =	simm.s32 $0x80  }
0xc4: {  	s7 =	simm.s32 $0x11900;
	s24 =	sadd.s32 $0x1400, s24;
	[sflag:s21] =	ssyncset.done $0x0  }
0xc5: {  	s23 =	sadd.s32 $0x2800, s23;
	s0 =	sadd.s32 $0x900, s0;
	[sflag:s21] =	ssyncadd.s32 $0xFFFFE000  }
0xc6: {  	[tilespmem:s7], [sflag:$0x9] =	stream.indirect.gather [hbm4b:s4+s2], $0x40, s0, s2, $0xb8;
	[tilespmem:$0x15900] =	vst v63  }
.LBB2_5:
0xc7: {  	_ =	sfence.sel $0x180000  }
0xc8: {  	[bflag:$0x0] =	sbarrier.arrive $0xFFFF  }
0xc9: {  	_ =	strace $0x90000047  }
0xca: {  	s0 =	stileid.u32;
	[bflag:$0x2] =	sbarrier.arrive $0xFFFF  }
0xcb: {  	p0 =	sne.s32 s0, $0x0;
	s0 =	rddreg [dreg:$0x2]  }
0xcc: {  	s0 =	sadd.s32 @!p0 $0x100000, s0  }
0xcd: {  	[sflag:s0] =	ssyncadd.tile.s32 @!p0 $0x1;
	_ =	shalt  }
.Lfunc_end2:
_tile_overlayer_lowered:
.L_overlay_start_2:
0xce: {  	(tag) =	ssettag $0x2  }
0xcf: {  	s0 =	rddreg [dreg:$0x0];
	s2 =	stileid.u32  }
0xd0: {  	s1 =	rddreg [dreg:$0x1];
	p0 =	sne.s32 s2, $0x0  }
0xd1: {  	s3 =	rddreg [dreg:$0x2];
	[bflag:$0x3] =	sbarrier.arrive $0xFFFF;
	s2 =	simm.s32 @!p0 $0x1C15  }
0xd2: {  	[timem:s3], [sflag:s2] =	dma.local @!p0 [hbm:s0], s1  }
0xd3: {  	s0 =	simm.s32 @!p0 $0x15  }
0xd4: {  	_ =	swait.ge @!p0 [sflag:s0], s1  }
0xd5: {  	s1 =	ssub.s32 @!p0 $0x0, s1;
	[sflag:s0] =	ssyncset.done @!p0 $0x0  }
0xd6: {  	[sflag:s0] =	ssyncadd.s32 @!p0 s1  }
0xd7: {  	[bflag:$0x3] =	sbarrier.arrive $0xFFFF  }
0xd8: {  	_ =	shalt  }

// kernel: sparse-core-data-format-call.cloned.1.call-start
scs
called_computation_lowered:
.L_overlay_start_0:
0x0: {  	s2 =	sld [smem:$0x3FD9]  }
0x1: {  	s3 =	sld [smem:$0x3FFE];
	_ =	sdelay $0x1  }
0x2: {  	s1 =	srdreg.scid  }
0x3: {  	s0 =	sand.u32 $0x1, s1  }
0x4: {  	s18 =	sshll.u32 s0, $0xA;
	s2 =	sadd.s32 s3, s2  }
0x5: {  	s2 =	sadd.s32 s2, s18  }
0x6: {  	[smem:$0x3FC6] =	sst s2  }
0x7: {  	_ = 	snop  }
0x8: {  	s2 =	sld [smem:$0x3FD0];
	(tm) =	ssettm $0x1  }
0x9: {  	s19 =	sld [smem:$0x3FFB];
	_ =	sdelay $0x3  }
0xa: {  	_ =	strace s19  }
0xb: {  	s3 =	sld [smem:$0x3FFC];
	_ =	sdelay $0x3  }
0xc: {  	_ =	strace s3  }
0xd: {  	s3 =	sld [smem:$0x3FFD];
	_ =	sdelay $0x3  }
0xe: {  	_ =	strace s3  }
0xf: {  	_ =	strace $0x8FFFFFFF  }
0x10: {  	s20 =	sld [smem:$0x3FDB];
	_ =	sdelay $0x1  }
0x11: {  	s4 =	simm.s32 $_scs_section_size  }
0x12: {  	s5 =	simm.s32 $_size__tile_overlayer_lowered;
	s6 =	simm.s32 $_tile_overlayer_lowered  }
0x13: {  	s23 =	simm.s32 $0x1BFF;
	s22 =	sshll.u32 s6, $0x1;
	s3 =	sadd.s32 s4, s20  }
0x14: {  	s7 =	simm.s32 $0x0;
	s21 =	sshll.u32 s5, $0x1;
	s5 =	sadd.s32 s22, s3  }
0x15: {  	[timem:s7], [sflag:s23] =	dma.local [hbm:s5], s21  }
0x16: {  	_ =	swait.ge [sflag:s23], s21  }
0x17: {  	s4 =	ssub.s32 $0x0, s21;
	[sflag:s23] =	ssyncset.done $0x0  }
0x18: {  	[sflag:s23] =	ssyncadd.s32 s4;
	_ =	sdelay $0x1  }
0x19: {  	s24 =	simm.s32 $0x1B8B  }
0x1a: {  	_ =	swait.ge [sflag:s24], $0x1  }
0x1b: {  	[sflag:s24] =	ssyncset.done $0x0  }
0x1c: {  	s26 =	simm.s32 $0x1B8E;
	s25 =	sld [smem:$0x3FFE];
	[sflag:s24] =	ssyncadd.s32 $0xFFFFFFFF  }
0x1d: {  	s27 =	simm.s32 $execute0_lowered;
	[smem:$0x3FD2] =	sst s26  }
0x1e: {  	s5 =	sshll.u32 s27, $0x1;
	_ =	strace $0x80000049;
	[dreg:$0x1] =	wrdreg $0xFFFFFFFF  }
0x1f: {  	s28 =	simm.s32 $_size_execute0_lowered;
	s3 =	sadd.s32 s3, s5;
	[dreg:$0x0] =	wrdreg $0x0  }
0x20: {  	s5 =	sshll.u32 s28, $0x1;
	[dreg:$0x2] =	wrdreg s3  }
0x21: {  	[dreg:$0x3] =	wrdreg s5  }
0x22: {  	[dreg:$0x4] =	wrdreg $0xC0  }
0x23: {  	_ =	task [dreg:s7], $0x5FFFF  }
0x24: {  	[dreg:$0x1] =	wrdreg $0xFFFFFFFF  }
0x25: {  	[dreg:$0x0] =	wrdreg $0x60  }
0x26: {  	[dreg:$0x2] =	wrdreg s25  }
0x27: {  	[dreg:$0x3] =	wrdreg s2  }
0x28: {  	[dreg:$0x4] =	wrdreg $0x9  }
0x29: {  	_ =	task.clear_ibuf [dreg:s7], $0x5FFFF;
	_ =	strace $0x90000049  }
0x2a: {  	s29 =	simm.s32 $0x9;
	_ =	strace $0x8000004B  }
0x2b: {  	_ =	swait.ge [sflag:s29], $0x1  }
0x2c: {  	[sflag:s29] =	ssyncadd.s32 $0xFFFFFFFF  }
0x2d: {  	_ =	strace $0x9000004B  }
0x2e: {  	_ =	sfence  }
0x2f: {  	s30 =	sld [smem:$0x0];
	_ =	sdelay $0x2  }
0x30: {  	s31 =	sshll.u32 s1, $0xD;
	s1 =	sshrl.u32 s1, $0x2  }
0x31: {  	s3 =	sand.u32 $0x4000, s31;
	s1 =	sadd.s32 s1, s30  }
0x32: {  	s0 =	sor.u32 s3, s0;
	s1 =	sshll.u32 s1, $0x11  }
0x33: {  	s0 =	sor.u32 s1, s0  }
0x34: {  	s0 =	sadd.s32 $0x8F2B, s0  }
0x35: {  	[sflag:s0] =	ssyncadd.remote.s32 $0x1  }
0x36: {  	_ =	sfence.sel $0xFFFF  }
0x37: {  	[dreg:$0x0] =	wrdreg $0xFFFFFFFF;
	(pc) =	sbr.abs _section_cstart, $3  }
0x38: {  	[dreg:$0x1] =	wrdreg $0xFFFFFFFF  }
0x39: {  	_ =	task.clear_ibuf [dreg:s7], $0x2FFFF;
	_ =	strace $0x9FFFFFFF  }
0x3a: {  	(tm) =	ssettm $0x7FFFFFFF  }
0x3b: {  	_ =	shalt  }
tec
execute0_lowered:
.L_overlay_start_1:
0x0: {  	(tag) =	ssettag $0x1  }
0x1: {  	s0 =	srdreg.scid  }
0x2: {  	s1 =	sshll.u32 s0, $0x4  }
0x3: {  	s0 =	stileid.u32;
	s1 =	sand.u32 $0x10, s1  }
0x4: {  	s1 =	sor.u32 s0, s1  }
0x5: {  	s6 =	rddreg [dreg:$0x0];
	s4 =	simm.s32 $0x1;
	s2 =	sshll.u32 s1, $0x7  }
0x6: {  	s7 =	simm.s32 $0x2;
	s12 =	simm.s32 $0x0;
	s1 =	ssub.s32 $0x1000, s2  }
0x7: {  	s8 =	simm.s32 $0x8000;
	s13 =	simm.s32 $0x0;
	s3 =	sand.u32 $0xF80, s1  }
0x8: {  	s9 =	simm.s32 $0x0;
	s5 =	sshrl.u32 s1, $0xC;
	p0 =	sne.s32 s3, $0x0  }
.Ltmp0:
0x9: {  	s1 =	rddreg [dreg:$0x2];
	s4 =	simm.s32 @!p0 $0x0;
	(pc) =	sbr.rel .LBB1_1-.Ltmp0, $4  }
0xa: {  	s11 =	simm.s32 $0x0;
	s3 =	rddreg [dreg:$0x1];
	s5 =	sadd.s32 s4, s5  }
0xb: {  	_ =	strace $0x8000004A;
	s4 =	simm.s32 $0x1;
	s5 =	smul.u32 $0x32, s5  }
0xc: {  	s6 =	sadd.s32 $0x800, s6;
	s10 =	smov.u32 s2;
	[sflag:s4] =	ssyncpa.u1 $0x0  }
0xd: {  	p0 =	por $0x0, $0x0;
	[sflag:s7] =	ssyncpa.u1 $0x0;
	s7 =	sor.u32 $0x1, s5  }
.LBB1_4:
0xe: {  	s16 =	sshll.u32 s13, $0x3;
	s17 =	sand.u32 $0x78, s13  }
0xf: {  	s30 =	sand.u32 $0x7E00, s13;
	s12 =	sshll.u32 s12, $0xF;
	s16 =	sand.u32 $0xC00, s16  }
0x10: {  	[tilespmem:s15+$0x810 ss:$0x81] =	vst.msk $0xffff, v2;
	s31 =	sand.u32 $0x7, s13;
	s16 =	sor.u32 s17, s16;
	s17 =	sadd.s32 s3, s30  }
0x11: {  	[tilespmem:s15+$0x1020 ss:$0x81] =	vst.msk $0xffff, v0;
	s13 =	sshll.u32 s31, $0x12;
	s12 =	sadd.s32 s12, s17;
	s16 =	sshrl.u32 s16, $0x3  }
0x12: {  	[tilespmem:s15+$0x0 ss:$0x81] =	vst.msk $0xffff, v1;
	s13 =	sor.u32 $0x400, s13;
	s12 =	sadd.s32 s16, s12  }
0x13: {  	[hbm4b:s12+s13] =	stream.strided.scatter [tilespmem:s14], [sflag:$0x2], $0x2000, s8, s13, $0x20;
	[tilespmem:$0x8080] =	vst v63  }
.LBB1_5:
0x14: {  	s14 =	sadd.s32 $0x1, s9  }
0x15: {  	s12 =	sadd.s32 $0x1000, s10;
	s16 =	smov.u32 s10;
	p2 =	sgt.s32 s14, $0x31  }
0x16: {  	s16 =	smov.u32 @p2 s12  }
0x17: {  	s14 =	simm.s32 @p2 $0x0;
	p2 =	sgt.s32 s16, $0xFFF  }
0x18: {  	s16 =	smov.u32 @p2 s2;
	p2 =	sne.s32 s11, s7  }
.Ltmp1:
0x19: {  	p1 =	slt.u32 s11, $0x2;
	(pc) =	sbr.rel @!p2 .LBB1_6-.Ltmp1, $4  }
0x1a: {  	s15 =	simm.s32 @!p1 $0x2  }
0x1b: {  	s13 =	smov.u32 s10;
	p0 =	por !p0, !p0;
	_ =	swait.ge @!p1 [sflag:s15], $0x2000  }
0x1c: {  	s12 =	smov.u32 s9;
	[sflag:s15] =	ssyncset.done @!p1 $0x0;
	s9 =	smov.u32 s14  }
0x1d: {  	s11 =	sadd.s32 $0x1, s11;
	[sflag:s15] =	ssyncadd.s32 @!p1 $0xFFFFE000;
	s10 =	smov.u32 s16  }
.LBB1_1:
0x1e: {  	p1 =	sge.u32 s11, s5  }
0x1f: {  	s14 =	sand.u32 @!p1 $0x1FFFFFF, s9  }
0x20: {  	s15 =	smulhi.u32 @!p1 $0x4924925, s14;
	_ =	sdelay $0x1  }
0x21: {  	s15 =	smul.u32 @!p1 $0x38, s15  }
0x22: {  	s16 =	sxor.u32 @!p1 $0xFFFFFFFF, s11;
	s17 =	smul.u32 @!p1 $0x380, s10  }
0x23: {  	s31 =	sadd.s32 $0xFFFFFFFF, s11;
	s16 =	sshll.u32 @!p1 s16, $0xD;
	s14 =	ssub.s32 @!p1 s14, s15  }
0x24: {  	s15 =	sand.u32 @!p1 $0x2000, s16;
	s16 =	sadd.s32 @!p1 s6, s17;
	s14 =	sshll.u32 @!p1 s14, $0x4  }
0x25: {  	s17 =	simm.s32 @!p1 $0x1C00;
	s14 =	sadd.s32 @!p1 s14, s16;
	s16 =	simm.s32 @!p1 $0x40  }
0x26: {  	[tilespmem:s15], [sflag:$0x1] =	stream.strided.gather @!p1 [hbm4b:s14+s16], $0x2000, s17, s16, $0x38;
	[tilespmem:$0x8080] =	vst v63  }
0x27: {  	p1 =	sge.u32 s31, s5  }
.Ltmp2:
0x28: {  	_ = 	snop;
	(pc) =	sbr.rel @p1 .LBB1_5-.Ltmp2, $1  }
0x29: {  	_ =	sdelay $0x3  }
0x2a: {  	s14 =	simm.s32 $0x1  }
0x2b: {  	_ =	swait.ge [sflag:s4], $0x2000;
	s14 =	simm.s32 @!p0 $0x0  }
0x2c: {  	[sflag:s4] =	ssyncset.done $0x0;
	s15 =	sshll.u32 s14, $0xD  }
0x2d: {  	[sflag:s4] =	ssyncadd.s32 $0xFFFFE000;
	s18 =	sor.u32 $0x20, s15  }
0x2e: {  	s14 =	smul.u32 $0x8100, s14;
	v3 =	vld [tilespmem:s18+$0x10]  }
0x2f: {  	s30 =	sand.u32 $0x1, s11;
	v2 =	vld [tilespmem:s18+$0xFFFFFFF0]  }
0x30: {  	s15 =	smul.u32 $0x8100, s30;
	s14 =	sshrl.u32 s14, $0x2;
	v0 =	vld [tilespmem:s18+$0x0]  }
0x31: {  	v1 =	vld [tilespmem:s18+$0xFFFFFFE0];
	s16 =	sor.u32 $0x4000, s14  }
0x32: {  	s31 =	sshrl.u32 s15, $0x2;
	s15 =	sadd.s32 $0x0, s16  }
0x33: {  	s17 =	simm.s32 $0x4;
	s18 =	sadd.s32 $0x40, s18;
	s14 =	sor.u32 $0x4000, s31;
	[tilespmem:s15+$0x1830 ss:$0x81] =	vst.msk $0xffff, v3  }
.LBB1_3:
0x34: {  	v3 =	vld [tilespmem:s18+$0x10];
	p1 =	sne.s32 s17, $0x1FC;
	[tilespmem:s15+$0x810 ss:$0x81] =	vst.msk $0xffff, v2;
	s19 =	smov.u32 s17;
	s17 =	sadd.s32 $0x4, s17  }
.Ltmp3:
0x35: {  	v2 =	vld [tilespmem:s18+$0xFFFFFFF0];
	[tilespmem:s15+$0x1020 ss:$0x81] =	vst.msk $0xffff, v0;
	(pc) =	sbr.rel @p1 .LBB1_3-.Ltmp3, $4  }
0x36: {  	v0 =	vld [tilespmem:s18+$0x0];
	[tilespmem:s15+$0x0 ss:$0x81] =	vst.msk $0xffff, v1  }
0x37: {  	s15 =	sshra.s32 s19, $0x2;
	v1 =	vld [tilespmem:s18+$0xFFFFFFE0]  }
0x38: {  	s15 =	sadd.s32 s15, s16  }
0x39: {  	s18 =	sadd.s32 $0x40, s18;
	[tilespmem:s15+$0x1830 ss:$0x81] =	vst.msk $0xffff, v3  }
.Ltmp4:
0x3a: {  	_ = 	snop;
	(pc) =	sbr.rel .LBB1_4-.Ltmp4, $1  }
0x3b: {  	_ =	sdelay $0x3  }
.LBB1_6:
0x3c: {  	_ =	sfence.sel $0x180000  }
0x3d: {  	s2 =	simm.s32 $0x1;
	[bflag:$0x0] =	sbarrier.arrive $0xFFFF  }
0x3e: {  	s31 =	simm.s32 $0x2;
	[sflag:s2] =	ssyncpa.u1 $0x1  }
0x3f: {  	[sflag:s31] =	ssyncpa.u1 $0x1  }
0x40: {  	p0 =	sne.s32 s0, $0x0;
	_ =	strace $0x9000004A  }
0x41: {  	s0 =	sadd.s32 @!p0 $0x100000, s1;
	[bflag:$0x2] =	sbarrier.arrive $0xFFFF  }
0x42: {  	[sflag:s0] =	ssyncadd.tile.s32 @!p0 $0x1;
	_ =	shalt  }
.Lfunc_end1:
_tile_overlayer_lowered:
.L_overlay_start_2:
0x43: {  	(tag) =	ssettag $0x2  }
0x44: {  	s0 =	rddreg [dreg:$0x0];
	s2 =	stileid.u32  }
0x45: {  	s1 =	rddreg [dreg:$0x1];
	p0 =	sne.s32 s2, $0x0  }
0x46: {  	s3 =	rddreg [dreg:$0x2];
	[bflag:$0x3] =	sbarrier.arrive $0xFFFF;
	s2 =	simm.s32 @!p0 $0x1C01  }
0x47: {  	[timem:s3], [sflag:s2] =	dma.local @!p0 [hbm:s0], s1  }
0x48: {  	s0 =	simm.s32 @!p0 $0x1  }
0x49: {  	_ =	swait.ge @!p0 [sflag:s0], s1  }
0x4a: {  	s1 =	ssub.s32 @!p0 $0x0, s1;
	[sflag:s0] =	ssyncset.done @!p0 $0x0  }
0x4b: {  	[sflag:s0] =	ssyncadd.s32 @!p0 s1  }
0x4c: {  	[bflag:$0x3] =	sbarrier.arrive $0xFFFF  }
0x4d: {  	_ =	shalt  }

</sc_bundles>
